<compile_context>
chip_gen: v7x
topology: tpu7x:2x2x1
jax: 0.10.2.dev20260603
libtpu: 0.0.44.dev20260713+nightly
codegen_flags: <defaults>
</compile_context>

<pallas_src>
import functools

import jax
import jax.numpy as jnp
from jax import lax
from jax.experimental import pallas as pl
from jax.experimental.pallas import tpu as pltpu
from jax.experimental.pallas import tpu_sc as plsc

VOCAB = 1000000
BATCH = 4096
SEQ = 200
DIM = 64
NW = 32
B_PER_W = BATCH // NW
C0 = 104
C1 = SEQ - C0

TCHUNK = 16384
HALF = TCHUNK // 2
TGRID = (VOCAB + TCHUNK - 1) // TCHUNK
VOCAB2 = TGRID * TCHUNK


def _transpose_body(tt_ref, out_ref):
    eye = (lax.broadcasted_iota(jnp.int32, (DIM, DIM), 0)
           == lax.broadcasted_iota(jnp.int32, (DIM, DIM), 1)
           ).astype(jnp.float32)
    t = lax.dot_general(tt_ref[...], eye, (((0,), (0,)), ((), ())),
                        preferred_element_type=jnp.float32)
    out_ref[:, 0:DIM] = t[0:HALF, :]
    out_ref[:, DIM:2 * DIM] = t[HALF:TCHUNK, :]


_linearize_tc = pl.pallas_call(
    _transpose_body,
    grid=(TGRID,),
    in_specs=[pl.BlockSpec((DIM, TCHUNK), lambda i: (0, i))],
    out_specs=pl.BlockSpec((HALF, 2 * DIM), lambda i: (i, 0)),
    out_shape=jax.ShapeDtypeStruct((TGRID * HALF, 2 * DIM), jnp.float32),
    compiler_params=pltpu.CompilerParams(fuse_transposed_lhs_in_matmul=True),
)


@functools.partial(
    pl.kernel,
    out_type=jax.ShapeDtypeStruct((BATCH * DIM,), jnp.float32),
    mesh=plsc.VectorSubcoreMesh(core_axis_name="c", subcore_axis_name="s"),
    scratch_types=[
        pltpu.VMEM((B_PER_W * SEQ,), jnp.int32),
        pltpu.VMEM((C0, DIM), jnp.float32),
        pltpu.VMEM((C1, DIM), jnp.float32),
        pltpu.VMEM((C0, DIM), jnp.float32),
        pltpu.VMEM((C1, DIM), jnp.float32),
        pltpu.VMEM((B_PER_W * DIM,), jnp.float32),
        pltpu.SemaphoreType.DMA,
        pltpu.SemaphoreType.DMA,
        pltpu.SemaphoreType.DMA,
        pltpu.SemaphoreType.DMA,
    ],
    compiler_params=pltpu.CompilerParams(needs_layout_passes=False,
                                         use_tc_tiling_on_sc=False),
)
def _fasttext_sc(table_hbm, idx_hbm, out_hbm, idx_v,
                 ra0, ra1, rb0, rb1, out_v, sa0, sa1, sb0, sb1):
    nc = 2
    wid = lax.axis_index("s") * nc + lax.axis_index("c")
    base = wid * B_PER_W

    pltpu.sync_copy(idx_hbm.at[pl.ds(base * SEQ, B_PER_W * SEQ)], idx_v)

    def start(b, r0, r1, s0, s1):
        off = pl.multiple_of(b * SEQ, 8)
        pltpu.async_copy(table_hbm.at[idx_v.at[pl.ds(off, C0)]], r0, s0)
        pltpu.async_copy(table_hbm.at[idx_v.at[pl.ds(off + C0, C1)]], r1, s1)

    def wait(r0, r1, s0, s1):
        pltpu.make_async_copy(table_hbm.at[idx_v.at[pl.ds(0, C0)]],
                              r0, s0).wait()
        pltpu.make_async_copy(table_hbm.at[idx_v.at[pl.ds(C0, C1)]],
                              r1, s1).wait()

    def accum(rows_ref, n, acc):
        def body(g, a):
            j0 = pl.multiple_of(g * 8, 8)
            for u in range(8):
                a = tuple(a[c] + rows_ref[j0 + u, pl.ds(16 * c, 16)]
                          for c in range(4))
            return a
        return lax.fori_loop(0, n // 8, body, acc)

    scale = jnp.float32(1.0 / SEQ)

    def accum_row(b, r0, r1):
        z = jnp.zeros((16,), jnp.float32)
        acc = accum(r0, C0, (z, z, z, z))
        acc = accum(r1, C1, acc)
        ob = pl.multiple_of(b * DIM, 8)
        for c in range(4):
            out_v[pl.ds(ob + 16 * c, 16)] = acc[c] * scale

    start(0, ra0, ra1, sa0, sa1)

    def pair_body(i, carry):
        b0 = 2 * i
        start(b0 + 1, rb0, rb1, sb0, sb1)
        wait(ra0, ra1, sa0, sa1)
        accum_row(b0, ra0, ra1)

        @pl.when(i < B_PER_W // 2 - 1)
        def _():
            start(b0 + 2, ra0, ra1, sa0, sa1)

        wait(rb0, rb1, sb0, sb1)
        accum_row(b0 + 1, rb0, rb1)
        return carry

    lax.fori_loop(0, B_PER_W // 2, pair_body, 0)

    pltpu.sync_copy(out_v, out_hbm.at[pl.ds(base * DIM, B_PER_W * DIM)])


def kernel(input, table):
    idx = input.astype(jnp.int32).reshape(BATCH * SEQ)
    q, r = idx // TCHUNK, idx % TCHUNK
    idx_flat = TCHUNK * q + (r % HALF) * 2 + r // HALF
    table_lin = _linearize_tc(table.T).reshape(VOCAB2, DIM)
    out_flat = _fasttext_sc(table_lin, idx_flat)
    return out_flat.reshape(BATCH, DIM)

# --- scband reference (transcript-rebuilt; emitter-appended) ---
"""Pipeline reference for scband-fast-text-91268055040597 (READ-ONLY COPY).

The authoritative reference and input builder live on the scoring server;
editing this copy changes nothing except your own understanding.
"""

import jax, jax.numpy as jnp
import numpy as np

VOCAB = 1000000
EMBED_DIM = 64
BATCH = 4096
SEQ = 200

def setup_inputs(seed: int = 0) -> dict:
    key = jax.random.key(seed)
    k_idx, k_tab = jax.random.split(key)
    inp = jax.random.randint(k_idx, (BATCH, SEQ), 0, VOCAB, dtype=jnp.int64 if jax.config.jax_enable_x64 else jnp.int32)
    table = jax.random.normal(k_tab, (VOCAB, EMBED_DIM), dtype=jnp.float32)
    return {"input": inp, "table": table}

def reference(input, table):
    # embeds = self.embeddings(input)
    embeds = jnp.take(table, input, axis=0)  # [B, L, D]
    # F.avg_pool2d(embeds, (L, 1)).squeeze(1) == mean over sequence dim
    out = jnp.mean(embeds, axis=1)  # [B, D]
    return out

if __name__ == "__main__":
    import jax
    _d = setup_inputs()
    print(jax.jit(kernel)(*tuple(_d.values())))

</pallas_src>

<mosaic_0001>
#map = affine_map<(d0, d1) -> (0, 0)>
#map1 = affine_map<(d0, d1) -> (0)>
module attributes {stable_mosaic.version = 14 : i64} {
  func.func @_fasttext_sc(%arg0: i32, %arg1: i32, %arg2: memref<1015808x64xf32, #tpu.memory_space<hbm>>, %arg3: memref<819200xi32, #tpu.memory_space<hbm>>, %arg4: memref<262144xf32, #tpu.memory_space<hbm>>, %arg5: memref<25600xi32, #tpu.memory_space<vmem>>, %arg6: memref<104x64xf32, #tpu.memory_space<vmem>>, %arg7: memref<96x64xf32, #tpu.memory_space<vmem>>, %arg8: memref<104x64xf32, #tpu.memory_space<vmem>>, %arg9: memref<96x64xf32, #tpu.memory_space<vmem>>, %arg10: memref<8192xf32, #tpu.memory_space<vmem>>, %arg11: memref<!tpu.dma_semaphore, #tpu.memory_space<semaphore_mem>>, %arg12: memref<!tpu.dma_semaphore, #tpu.memory_space<semaphore_mem>>, %arg13: memref<!tpu.dma_semaphore, #tpu.memory_space<semaphore_mem>>, %arg14: memref<!tpu.dma_semaphore, #tpu.memory_space<semaphore_mem>>) attributes {dimension_semantics = [#tpu.dimension_semantics<core_parallel>, #tpu.dimension_semantics<subcore_parallel>], iteration_bounds = array<i64: 2, 16>, scalar_prefetch = 0 : i64, scratch_operands = 10 : i64, tpu.core_type = #tpu.core_type<sc_vector_subcore>, window_params = [{transform_indices = #map}, {transform_indices = #map1}, {transform_indices = #map1}]} {
    %mul3A = arith.constant 2 : i32
    %mul3A_0 = arith.muli %arg1, %mul3A : i32
    %add3A = arith.addi %mul3A_0, %arg0 : i32
    %mul3A_1 = arith.constant 128 : i32
    %mul3A_2 = arith.muli %add3A, %mul3A_1 : i32
    %mul3A_3 = arith.constant 200 : i32
    %mul3A_4 = arith.muli %mul3A_2, %mul3A_3 : i32
    "tpu.region"() ({
      %run_scoped3A = tpu.sem_alloc : memref<!tpu.dma_semaphore, #tpu.memory_space<semaphore_mem>>
      %dma_start3A_23 = tpu.memref_slice %arg3[%mul3A_4] : memref<819200xi32, #tpu.memory_space<hbm>> -> memref<25600xi32, #tpu.memory_space<hbm>>
      %dma_start3A_24 = tpu.memref_slice %arg3[%mul3A_4] : memref<819200xi32, #tpu.memory_space<hbm>> -> memref<25600xi32, #tpu.memory_space<hbm>>
      tpu.enqueue_dma source(%dma_start3A_24 : memref<25600xi32, #tpu.memory_space<hbm>>) target(%arg5 : memref<25600xi32, #tpu.memory_space<vmem>>) target_semaphore(%run_scoped3A : memref<!tpu.dma_semaphore, #tpu.memory_space<semaphore_mem>>)
      %dma_wait3A = tpu.memref_slice %arg3[%mul3A_4] : memref<819200xi32, #tpu.memory_space<hbm>> -> memref<25600xi32, #tpu.memory_space<hbm>>
      %dma_wait3A_25 = tpu.memref_slice %arg3[%mul3A_4] : memref<819200xi32, #tpu.memory_space<hbm>> -> memref<25600xi32, #tpu.memory_space<hbm>>
      tpu.wait_dma2 semaphore(%run_scoped3A : memref<!tpu.dma_semaphore, #tpu.memory_space<semaphore_mem>>) src(%dma_wait3A_25 : memref<25600xi32, #tpu.memory_space<hbm>>) dst(%arg5 : memref<25600xi32, #tpu.memory_space<vmem>>)
      tpu.yield
    }) : () -> ()
    %multiple_of3A = arith.constant 0 : i32
    %multiple_of3A_5 = tpu.assume_multiple %multiple_of3A, 8 : i32
    %dma_start3A = tpu.memref_slice %arg5[%multiple_of3A_5] : memref<25600xi32, #tpu.memory_space<vmem>> -> memref<104xi32, #tpu.memory_space<vmem>>
    %dma_start3A_6 = arith.constant 0 : i32
    %dma_start3A_7 = arith.constant 0 : i32
    %dma_start3A_8 = tpu.memref_slice %arg2[%dma_start3A_6, %dma_start3A_7] : memref<1015808x64xf32, #tpu.memory_space<hbm>> -> memref<1015808x64xf32, #tpu.memory_space<hbm>>
    tpu.enqueue_indirect_dma source(%dma_start3A_8 : memref<1015808x64xf32, #tpu.memory_space<hbm>>) target(%arg6 : memref<104x64xf32, #tpu.memory_space<vmem>>) offsets(%dma_start3A : memref<104xi32, #tpu.memory_space<vmem>>) semaphore(%arg11 : memref<!tpu.dma_semaphore, #tpu.memory_space<semaphore_mem>>)
    %add3A_9 = arith.constant 104 : i32
    %add3A_10 = arith.addi %multiple_of3A_5, %add3A_9 : i32
    %dma_start3A_11 = tpu.memref_slice %arg5[%add3A_10] : memref<25600xi32, #tpu.memory_space<vmem>> -> memref<96xi32, #tpu.memory_space<vmem>>
    %dma_start3A_12 = arith.constant 0 : i32
    %dma_start3A_13 = arith.constant 0 : i32
    %dma_start3A_14 = tpu.memref_slice %arg2[%dma_start3A_12, %dma_start3A_13] : memref<1015808x64xf32, #tpu.memory_space<hbm>> -> memref<1015808x64xf32, #tpu.memory_space<hbm>>
    tpu.enqueue_indirect_dma source(%dma_start3A_14 : memref<1015808x64xf32, #tpu.memory_space<hbm>>) target(%arg7 : memref<96x64xf32, #tpu.memory_space<vmem>>) offsets(%dma_start3A_11 : memref<96xi32, #tpu.memory_space<vmem>>) semaphore(%arg12 : memref<!tpu.dma_semaphore, #tpu.memory_space<semaphore_mem>>)
    %scan3A = arith.constant 0 : i32
    %scan3A_15 = arith.constant 5.000000e-03 : f32
    %scan3A_16 = arith.constant 0 : i32
    %scan3A_17 = arith.constant 64 : i32
    %scan3A_18 = arith.addi %scan3A_16, %scan3A_17 : i32
    %scan3A_19 = arith.constant 1 : i32
    scf.for %scan3A_23 = %scan3A_16 to %scan3A_18 step %scan3A_19  : i32 {
      %mul3A_24 = arith.constant 2 : i32
      %mul3A_25 = arith.muli %mul3A_24, %scan3A_23 : i32
      %add3A_26 = arith.constant 1 : i32
      %add3A_27 = arith.addi %mul3A_25, %add3A_26 : i32
      %mul3A_28 = arith.constant 200 : i32
      %mul3A_29 = arith.muli %add3A_27, %mul3A_28 : i32
      %multiple_of3A_30 = tpu.assume_multiple %mul3A_29, 8 : i32
      %dma_start3A_31 = tpu.memref_slice %arg5[%multiple_of3A_30] : memref<25600xi32, #tpu.memory_space<vmem>> -> memref<104xi32, #tpu.memory_space<vmem>>
      %dma_start3A_32 = arith.constant 0 : i32
      %dma_start3A_33 = arith.constant 0 : i32
      %dma_start3A_34 = tpu.memref_slice %arg2[%dma_start3A_32, %dma_start3A_33] : memref<1015808x64xf32, #tpu.memory_space<hbm>> -> memref<1015808x64xf32, #tpu.memory_space<hbm>>
      tpu.enqueue_indirect_dma source(%dma_start3A_34 : memref<1015808x64xf32, #tpu.memory_space<hbm>>) target(%arg8 : memref<104x64xf32, #tpu.memory_space<vmem>>) offsets(%dma_start3A_31 : memref<104xi32, #tpu.memory_space<vmem>>) semaphore(%arg13 : memref<!tpu.dma_semaphore, #tpu.memory_space<semaphore_mem>>)
      %add3A_35 = arith.constant 104 : i32
      %add3A_36 = arith.addi %multiple_of3A_30, %add3A_35 : i32
      %dma_start3A_37 = tpu.memref_slice %arg5[%add3A_36] : memref<25600xi32, #tpu.memory_space<vmem>> -> memref<96xi32, #tpu.memory_space<vmem>>
      %dma_start3A_38 = arith.constant 0 : i32
      %dma_start3A_39 = arith.constant 0 : i32
      %dma_start3A_40 = tpu.memref_slice %arg2[%dma_start3A_38, %dma_start3A_39] : memref<1015808x64xf32, #tpu.memory_space<hbm>> -> memref<1015808x64xf32, #tpu.memory_space<hbm>>
      tpu.enqueue_indirect_dma source(%dma_start3A_40 : memref<1015808x64xf32, #tpu.memory_space<hbm>>) target(%arg9 : memref<96x64xf32, #tpu.memory_space<vmem>>) offsets(%dma_start3A_37 : memref<96xi32, #tpu.memory_space<vmem>>) semaphore(%arg14 : memref<!tpu.dma_semaphore, #tpu.memory_space<semaphore_mem>>)
      %dma_wait3A = arith.constant 0 : i32
      %dma_wait3A_41 = tpu.memref_slice %arg5[%dma_wait3A] : memref<25600xi32, #tpu.memory_space<vmem>> -> memref<104xi32, #tpu.memory_space<vmem>>
      %dma_wait3A_42 = arith.constant 0 : i32
      %dma_wait3A_43 = arith.constant 0 : i32
      %dma_wait3A_44 = tpu.memref_slice %arg2[%dma_wait3A_42, %dma_wait3A_43] : memref<1015808x64xf32, #tpu.memory_space<hbm>> -> memref<1015808x64xf32, #tpu.memory_space<hbm>>
      tpu.wait_indirect_dma semaphore(%arg11 : memref<!tpu.dma_semaphore, #tpu.memory_space<semaphore_mem>>) src(%dma_wait3A_44 : memref<1015808x64xf32, #tpu.memory_space<hbm>>) dst(%arg6 : memref<104x64xf32, #tpu.memory_space<vmem>>)
      %dma_wait3A_45 = arith.constant 104 : i32
      %dma_wait3A_46 = tpu.memref_slice %arg5[%dma_wait3A_45] : memref<25600xi32, #tpu.memory_space<vmem>> -> memref<96xi32, #tpu.memory_space<vmem>>
      %dma_wait3A_47 = arith.constant 0 : i32
      %dma_wait3A_48 = arith.constant 0 : i32
      %dma_wait3A_49 = tpu.memref_slice %arg2[%dma_wait3A_47, %dma_wait3A_48] : memref<1015808x64xf32, #tpu.memory_space<hbm>> -> memref<1015808x64xf32, #tpu.memory_space<hbm>>
      tpu.wait_indirect_dma semaphore(%arg12 : memref<!tpu.dma_semaphore, #tpu.memory_space<semaphore_mem>>) src(%dma_wait3A_49 : memref<1015808x64xf32, #tpu.memory_space<hbm>>) dst(%arg7 : memref<96x64xf32, #tpu.memory_space<vmem>>)
      %broadcast_in_dim3A = arith.constant 0.000000e+00 : f32
      %broadcast_in_dim3A_50 = vector.broadcast %broadcast_in_dim3A : f32 to vector<16xf32>
      %scan3A_51 = arith.constant 0 : i32
      %scan3A_52 = arith.constant 13 : i32
      %scan3A_53 = arith.addi %scan3A_51, %scan3A_52 : i32
      %scan3A_54 = arith.constant 1 : i32
      %scan3A_55:4 = scf.for %scan3A_144 = %scan3A_51 to %scan3A_53 step %scan3A_54 iter_args(%scan3A_145 = %broadcast_in_dim3A_50, %scan3A_146 = %broadcast_in_dim3A_50, %scan3A_147 = %broadcast_in_dim3A_50, %scan3A_148 = %broadcast_in_dim3A_50) -> (vector<16xf32>, vector<16xf32>, vector<16xf32>, vector<16xf32>)  : i32 {
        %mul3A_149 = arith.constant 8 : i32
        %mul3A_150 = arith.muli %scan3A_144, %mul3A_149 : i32
        %multiple_of3A_151 = tpu.assume_multiple %mul3A_150, 8 : i32
        %add3A_152 = arith.constant 0 : i32
        %add3A_153 = arith.addi %multiple_of3A_151, %add3A_152 : i32
        %get3A = arith.index_cast %add3A_153 : i32 to index
        %get3A_154 = arith.constant 0 : index
        %get3A_155 = tpu.vector_load %arg6[%get3A, %get3A_154] {strides = array<i32>} : memref<104x64xf32, #tpu.memory_space<vmem>>, vector<16xf32>,
        %add3A_156 = arith.addf %scan3A_145, %get3A_155 : vector<16xf32>
        %add3A_157 = arith.constant 0 : i32
        %add3A_158 = arith.addi %multiple_of3A_151, %add3A_157 : i32
        %get3A_159 = arith.index_cast %add3A_158 : i32 to index
        %get3A_160 = arith.constant 16 : index
        %get3A_161 = tpu.vector_load %arg6[%get3A_159, %get3A_160] {strides = array<i32>} : memref<104x64xf32, #tpu.memory_space<vmem>>, vector<16xf32>,
        %add3A_162 = arith.addf %scan3A_146, %get3A_161 : vector<16xf32>
        %add3A_163 = arith.constant 0 : i32
        %add3A_164 = arith.addi %multiple_of3A_151, %add3A_163 : i32
        %get3A_165 = arith.index_cast %add3A_164 : i32 to index
        %get3A_166 = arith.constant 32 : index
        %get3A_167 = tpu.vector_load %arg6[%get3A_165, %get3A_166] {strides = array<i32>} : memref<104x64xf32, #tpu.memory_space<vmem>>, vector<16xf32>,
        %add3A_168 = arith.addf %scan3A_147, %get3A_167 : vector<16xf32>
        %add3A_169 = arith.constant 0 : i32
        %add3A_170 = arith.addi %multiple_of3A_151, %add3A_169 : i32
        %get3A_171 = arith.index_cast %add3A_170 : i32 to index
        %get3A_172 = arith.constant 48 : index
        %get3A_173 = tpu.vector_load %arg6[%get3A_171, %get3A_172] {strides = array<i32>} : memref<104x64xf32, #tpu.memory_space<vmem>>, vector<16xf32>,
        %add3A_174 = arith.addf %scan3A_148, %get3A_173 : vector<16xf32>
        %add3A_175 = arith.constant 1 : i32
        %add3A_176 = arith.addi %multiple_of3A_151, %add3A_175 : i32
        %get3A_177 = arith.index_cast %add3A_176 : i32 to index
        %get3A_178 = arith.constant 0 : index
        %get3A_179 = tpu.vector_load %arg6[%get3A_177, %get3A_178] {strides = array<i32>} : memref<104x64xf32, #tpu.memory_space<vmem>>, vector<16xf32>,
        %add3A_180 = arith.addf %add3A_156, %get3A_179 : vector<16xf32>
        %add3A_181 = arith.constant 1 : i32
        %add3A_182 = arith.addi %multiple_of3A_151, %add3A_181 : i32
        %get3A_183 = arith.index_cast %add3A_182 : i32 to index
        %get3A_184 = arith.constant 16 : index
        %get3A_185 = tpu.vector_load %arg6[%get3A_183, %get3A_184] {strides = array<i32>} : memref<104x64xf32, #tpu.memory_space<vmem>>, vector<16xf32>,
        %add3A_186 = arith.addf %add3A_162, %get3A_185 : vector<16xf32>
        %add3A_187 = arith.constant 1 : i32
        %add3A_188 = arith.addi %multiple_of3A_151, %add3A_187 : i32
        %get3A_189 = arith.index_cast %add3A_188 : i32 to index
        %get3A_190 = arith.constant 32 : index
        %get3A_191 = tpu.vector_load %arg6[%get3A_189, %get3A_190] {strides = array<i32>} : memref<104x64xf32, #tpu.memory_space<vmem>>, vector<16xf32>,
        %add3A_192 = arith.addf %add3A_168, %get3A_191 : vector<16xf32>
        %add3A_193 = arith.constant 1 : i32
        %add3A_194 = arith.addi %multiple_of3A_151, %add3A_193 : i32
        %get3A_195 = arith.index_cast %add3A_194 : i32 to index
        %get3A_196 = arith.constant 48 : index
        %get3A_197 = tpu.vector_load %arg6[%get3A_195, %get3A_196] {strides = array<i32>} : memref<104x64xf32, #tpu.memory_space<vmem>>, vector<16xf32>,
        %add3A_198 = arith.addf %add3A_174, %get3A_197 : vector<16xf32>
        %add3A_199 = arith.constant 2 : i32
        %add3A_200 = arith.addi %multiple_of3A_151, %add3A_199 : i32
        %get3A_201 = arith.index_cast %add3A_200 : i32 to index
        %get3A_202 = arith.constant 0 : index
        %get3A_203 = tpu.vector_load %arg6[%get3A_201, %get3A_202] {strides = array<i32>} : memref<104x64xf32, #tpu.memory_space<vmem>>, vector<16xf32>,
        %add3A_204 = arith.addf %add3A_180, %get3A_203 : vector<16xf32>
        %add3A_205 = arith.constant 2 : i32
        %add3A_206 = arith.addi %multiple_of3A_151, %add3A_205 : i32
        %get3A_207 = arith.index_cast %add3A_206 : i32 to index
        %get3A_208 = arith.constant 16 : index
        %get3A_209 = tpu.vector_load %arg6[%get3A_207, %get3A_208] {strides = array<i32>} : memref<104x64xf32, #tpu.memory_space<vmem>>, vector<16xf32>,
        %add3A_210 = arith.addf %add3A_186, %get3A_209 : vector<16xf32>
        %add3A_211 = arith.constant 2 : i32
        %add3A_212 = arith.addi %multiple_of3A_151, %add3A_211 : i32
        %get3A_213 = arith.index_cast %add3A_212 : i32 to index
        %get3A_214 = arith.constant 32 : index
        %get3A_215 = tpu.vector_load %arg6[%get3A_213, %get3A_214] {strides = array<i32>} : memref<104x64xf32, #tpu.memory_space<vmem>>, vector<16xf32>,
        %add3A_216 = arith.addf %add3A_192, %get3A_215 : vector<16xf32>
        %add3A_217 = arith.constant 2 : i32
        %add3A_218 = arith.addi %multiple_of3A_151, %add3A_217 : i32
        %get3A_219 = arith.index_cast %add3A_218 : i32 to index
        %get3A_220 = arith.constant 48 : index
        %get3A_221 = tpu.vector_load %arg6[%get3A_219, %get3A_220] {strides = array<i32>} : memref<104x64xf32, #tpu.memory_space<vmem>>, vector<16xf32>,
        %add3A_222 = arith.addf %add3A_198, %get3A_221 : vector<16xf32>
        %add3A_223 = arith.constant 3 : i32
        %add3A_224 = arith.addi %multiple_of3A_151, %add3A_223 : i32
        %get3A_225 = arith.index_cast %add3A_224 : i32 to index
        %get3A_226 = arith.constant 0 : index
        %get3A_227 = tpu.vector_load %arg6[%get3A_225, %get3A_226] {strides = array<i32>} : memref<104x64xf32, #tpu.memory_space<vmem>>, vector<16xf32>,
        %add3A_228 = arith.addf %add3A_204, %get3A_227 : vector<16xf32>
        %add3A_229 = arith.constant 3 : i32
        %add3A_230 = arith.addi %multiple_of3A_151, %add3A_229 : i32
        %get3A_231 = arith.index_cast %add3A_230 : i32 to index
        %get3A_232 = arith.constant 16 : index
        %get3A_233 = tpu.vector_load %arg6[%get3A_231, %get3A_232] {strides = array<i32>} : memref<104x64xf32, #tpu.memory_space<vmem>>, vector<16xf32>,
        %add3A_234 = arith.addf %add3A_210, %get3A_233 : vector<16xf32>
        %add3A_235 = arith.constant 3 : i32
        %add3A_236 = arith.addi %multiple_of3A_151, %add3A_235 : i32
        %get3A_237 = arith.index_cast %add3A_236 : i32 to index
        %get3A_238 = arith.constant 32 : index
        %get3A_239 = tpu.vector_load %arg6[%get3A_237, %get3A_238] {strides = array<i32>} : memref<104x64xf32, #tpu.memory_space<vmem>>, vector<16xf32>,
        %add3A_240 = arith.addf %add3A_216, %get3A_239 : vector<16xf32>
        %add3A_241 = arith.constant 3 : i32
        %add3A_242 = arith.addi %multiple_of3A_151, %add3A_241 : i32
        %get3A_243 = arith.index_cast %add3A_242 : i32 to index
        %get3A_244 = arith.constant 48 : index
        %get3A_245 = tpu.vector_load %arg6[%get3A_243, %get3A_244] {strides = array<i32>} : memref<104x64xf32, #tpu.memory_space<vmem>>, vector<16xf32>,
        %add3A_246 = arith.addf %add3A_222, %get3A_245 : vector<16xf32>
        %add3A_247 = arith.constant 4 : i32
        %add3A_248 = arith.addi %multiple_of3A_151, %add3A_247 : i32
        %get3A_249 = arith.index_cast %add3A_248 : i32 to index
        %get3A_250 = arith.constant 0 : index
        %get3A_251 = tpu.vector_load %arg6[%get3A_249, %get3A_250] {strides = array<i32>} : memref<104x64xf32, #tpu.memory_space<vmem>>, vector<16xf32>,
        %add3A_252 = arith.addf %add3A_228, %get3A_251 : vector<16xf32>
        %add3A_253 = arith.constant 4 : i32
        %add3A_254 = arith.addi %multiple_of3A_151, %add3A_253 : i32
        %get3A_255 = arith.index_cast %add3A_254 : i32 to index
        %get3A_256 = arith.constant 16 : index
        %get3A_257 = tpu.vector_load %arg6[%get3A_255, %get3A_256] {strides = array<i32>} : memref<104x64xf32, #tpu.memory_space<vmem>>, vector<16xf32>,
        %add3A_258 = arith.addf %add3A_234, %get3A_257 : vector<16xf32>
        %add3A_259 = arith.constant 4 : i32
        %add3A_260 = arith.addi %multiple_of3A_151, %add3A_259 : i32
        %get3A_261 = arith.index_cast %add3A_260 : i32 to index
        %get3A_262 = arith.constant 32 : index
        %get3A_263 = tpu.vector_load %arg6[%get3A_261, %get3A_262] {strides = array<i32>} : memref<104x64xf32, #tpu.memory_space<vmem>>, vector<16xf32>,
        %add3A_264 = arith.addf %add3A_240, %get3A_263 : vector<16xf32>
        %add3A_265 = arith.constant 4 : i32
        %add3A_266 = arith.addi %multiple_of3A_151, %add3A_265 : i32
        %get3A_267 = arith.index_cast %add3A_266 : i32 to index
        %get3A_268 = arith.constant 48 : index
        %get3A_269 = tpu.vector_load %arg6[%get3A_267, %get3A_268] {strides = array<i32>} : memref<104x64xf32, #tpu.memory_space<vmem>>, vector<16xf32>,
        %add3A_270 = arith.addf %add3A_246, %get3A_269 : vector<16xf32>
        %add3A_271 = arith.constant 5 : i32
        %add3A_272 = arith.addi %multiple_of3A_151, %add3A_271 : i32
        %get3A_273 = arith.index_cast %add3A_272 : i32 to index
        %get3A_274 = arith.constant 0 : index
        %get3A_275 = tpu.vector_load %arg6[%get3A_273, %get3A_274] {strides = array<i32>} : memref<104x64xf32, #tpu.memory_space<vmem>>, vector<16xf32>,
        %add3A_276 = arith.addf %add3A_252, %get3A_275 : vector<16xf32>
        %add3A_277 = arith.constant 5 : i32
        %add3A_278 = arith.addi %multiple_of3A_151, %add3A_277 : i32
        %get3A_279 = arith.index_cast %add3A_278 : i32 to index
        %get3A_280 = arith.constant 16 : index
        %get3A_281 = tpu.vector_load %arg6[%get3A_279, %get3A_280] {strides = array<i32>} : memref<104x64xf32, #tpu.memory_space<vmem>>, vector<16xf32>,
        %add3A_282 = arith.addf %add3A_258, %get3A_281 : vector<16xf32>
        %add3A_283 = arith.constant 5 : i32
        %add3A_284 = arith.addi %multiple_of3A_151, %add3A_283 : i32
        %get3A_285 = arith.index_cast %add3A_284 : i32 to index
        %get3A_286 = arith.constant 32 : index
        %get3A_287 = tpu.vector_load %arg6[%get3A_285, %get3A_286] {strides = array<i32>} : memref<104x64xf32, #tpu.memory_space<vmem>>, vector<16xf32>,
        %add3A_288 = arith.addf %add3A_264, %get3A_287 : vector<16xf32>
        %add3A_289 = arith.constant 5 : i32
        %add3A_290 = arith.addi %multiple_of3A_151, %add3A_289 : i32
        %get3A_291 = arith.index_cast %add3A_290 : i32 to index
        %get3A_292 = arith.constant 48 : index
        %get3A_293 = tpu.vector_load %arg6[%get3A_291, %get3A_292] {strides = array<i32>} : memref<104x64xf32, #tpu.memory_space<vmem>>, vector<16xf32>,
        %add3A_294 = arith.addf %add3A_270, %get3A_293 : vector<16xf32>
        %add3A_295 = arith.constant 6 : i32
        %add3A_296 = arith.addi %multiple_of3A_151, %add3A_295 : i32
        %get3A_297 = arith.index_cast %add3A_296 : i32 to index
        %get3A_298 = arith.constant 0 : index
        %get3A_299 = tpu.vector_load %arg6[%get3A_297, %get3A_298] {strides = array<i32>} : memref<104x64xf32, #tpu.memory_space<vmem>>, vector<16xf32>,
        %add3A_300 = arith.addf %add3A_276, %get3A_299 : vector<16xf32>
        %add3A_301 = arith.constant 6 : i32
        %add3A_302 = arith.addi %multiple_of3A_151, %add3A_301 : i32
        %get3A_303 = arith.index_cast %add3A_302 : i32 to index
        %get3A_304 = arith.constant 16 : index
        %get3A_305 = tpu.vector_load %arg6[%get3A_303, %get3A_304] {strides = array<i32>} : memref<104x64xf32, #tpu.memory_space<vmem>>, vector<16xf32>,
        %add3A_306 = arith.addf %add3A_282, %get3A_305 : vector<16xf32>
        %add3A_307 = arith.constant 6 : i32
        %add3A_308 = arith.addi %multiple_of3A_151, %add3A_307 : i32
        %get3A_309 = arith.index_cast %add3A_308 : i32 to index
        %get3A_310 = arith.constant 32 : index
        %get3A_311 = tpu.vector_load %arg6[%get3A_309, %get3A_310] {strides = array<i32>} : memref<104x64xf32, #tpu.memory_space<vmem>>, vector<16xf32>,
        %add3A_312 = arith.addf %add3A_288, %get3A_311 : vector<16xf32>
        %add3A_313 = arith.constant 6 : i32
        %add3A_314 = arith.addi %multiple_of3A_151, %add3A_313 : i32
        %get3A_315 = arith.index_cast %add3A_314 : i32 to index
        %get3A_316 = arith.constant 48 : index
        %get3A_317 = tpu.vector_load %arg6[%get3A_315, %get3A_316] {strides = array<i32>} : memref<104x64xf32, #tpu.memory_space<vmem>>, vector<16xf32>,
        %add3A_318 = arith.addf %add3A_294, %get3A_317 : vector<16xf32>
        %add3A_319 = arith.constant 7 : i32
        %add3A_320 = arith.addi %multiple_of3A_151, %add3A_319 : i32
        %get3A_321 = arith.index_cast %add3A_320 : i32 to index
        %get3A_322 = arith.constant 0 : index
        %get3A_323 = tpu.vector_load %arg6[%get3A_321, %get3A_322] {strides = array<i32>} : memref<104x64xf32, #tpu.memory_space<vmem>>, vector<16xf32>,
        %add3A_324 = arith.addf %add3A_300, %get3A_323 : vector<16xf32>
        %add3A_325 = arith.constant 7 : i32
        %add3A_326 = arith.addi %multiple_of3A_151, %add3A_325 : i32
        %get3A_327 = arith.index_cast %add3A_326 : i32 to index
        %get3A_328 = arith.constant 16 : index
        %get3A_329 = tpu.vector_load %arg6[%get3A_327, %get3A_328] {strides = array<i32>} : memref<104x64xf32, #tpu.memory_space<vmem>>, vector<16xf32>,
        %add3A_330 = arith.addf %add3A_306, %get3A_329 : vector<16xf32>
        %add3A_331 = arith.constant 7 : i32
        %add3A_332 = arith.addi %multiple_of3A_151, %add3A_331 : i32
        %get3A_333 = arith.index_cast %add3A_332 : i32 to index
        %get3A_334 = arith.constant 32 : index
        %get3A_335 = tpu.vector_load %arg6[%get3A_333, %get3A_334] {strides = array<i32>} : memref<104x64xf32, #tpu.memory_space<vmem>>, vector<16xf32>,
        %add3A_336 = arith.addf %add3A_312, %get3A_335 : vector<16xf32>
        %add3A_337 = arith.constant 7 : i32
        %add3A_338 = arith.addi %multiple_of3A_151, %add3A_337 : i32
        %get3A_339 = arith.index_cast %add3A_338 : i32 to index
        %get3A_340 = arith.constant 48 : index
        %get3A_341 = tpu.vector_load %arg6[%get3A_339, %get3A_340] {strides = array<i32>} : memref<104x64xf32, #tpu.memory_space<vmem>>, vector<16xf32>,
        %add3A_342 = arith.addf %add3A_318, %get3A_341 : vector<16xf32>
        scf.yield %add3A_324, %add3A_330, %add3A_336, %add3A_342 : vector<16xf32>, vector<16xf32>, vector<16xf32>, vector<16xf32>
      }
      %scan3A_56 = arith.constant 13 : i32
      %scan3A_57 = arith.constant 0 : i32
      %scan3A_58 = arith.constant 12 : i32
      %scan3A_59 = arith.addi %scan3A_57, %scan3A_58 : i32
      %scan3A_60 = arith.constant 1 : i32
      %scan3A_61:4 = scf.for %scan3A_144 = %scan3A_57 to %scan3A_59 step %scan3A_60 iter_args(%scan3A_145 = %scan3A_55#0, %scan3A_146 = %scan3A_55#1, %scan3A_147 = %scan3A_55#2, %scan3A_148 = %scan3A_55#3) -> (vector<16xf32>, vector<16xf32>, vector<16xf32>, vector<16xf32>)  : i32 {
        %mul3A_149 = arith.constant 8 : i32
        %mul3A_150 = arith.muli %scan3A_144, %mul3A_149 : i32
        %multiple_of3A_151 = tpu.assume_multiple %mul3A_150, 8 : i32
        %add3A_152 = arith.constant 0 : i32
        %add3A_153 = arith.addi %multiple_of3A_151, %add3A_152 : i32
        %get3A = arith.index_cast %add3A_153 : i32 to index
        %get3A_154 = arith.constant 0 : index
        %get3A_155 = tpu.vector_load %arg7[%get3A, %get3A_154] {strides = array<i32>} : memref<96x64xf32, #tpu.memory_space<vmem>>, vector<16xf32>,
        %add3A_156 = arith.addf %scan3A_145, %get3A_155 : vector<16xf32>
        %add3A_157 = arith.constant 0 : i32
        %add3A_158 = arith.addi %multiple_of3A_151, %add3A_157 : i32
        %get3A_159 = arith.index_cast %add3A_158 : i32 to index
        %get3A_160 = arith.constant 16 : index
        %get3A_161 = tpu.vector_load %arg7[%get3A_159, %get3A_160] {strides = array<i32>} : memref<96x64xf32, #tpu.memory_space<vmem>>, vector<16xf32>,
        %add3A_162 = arith.addf %scan3A_146, %get3A_161 : vector<16xf32>
        %add3A_163 = arith.constant 0 : i32
        %add3A_164 = arith.addi %multiple_of3A_151, %add3A_163 : i32
        %get3A_165 = arith.index_cast %add3A_164 : i32 to index
        %get3A_166 = arith.constant 32 : index
        %get3A_167 = tpu.vector_load %arg7[%get3A_165, %get3A_166] {strides = array<i32>} : memref<96x64xf32, #tpu.memory_space<vmem>>, vector<16xf32>,
        %add3A_168 = arith.addf %scan3A_147, %get3A_167 : vector<16xf32>
        %add3A_169 = arith.constant 0 : i32
        %add3A_170 = arith.addi %multiple_of3A_151, %add3A_169 : i32
        %get3A_171 = arith.index_cast %add3A_170 : i32 to index
        %get3A_172 = arith.constant 48 : index
        %get3A_173 = tpu.vector_load %arg7[%get3A_171, %get3A_172] {strides = array<i32>} : memref<96x64xf32, #tpu.memory_space<vmem>>, vector<16xf32>,
        %add3A_174 = arith.addf %scan3A_148, %get3A_173 : vector<16xf32>
        %add3A_175 = arith.constant 1 : i32
        %add3A_176 = arith.addi %multiple_of3A_151, %add3A_175 : i32
        %get3A_177 = arith.index_cast %add3A_176 : i32 to index
        %get3A_178 = arith.constant 0 : index
        %get3A_179 = tpu.vector_load %arg7[%get3A_177, %get3A_178] {strides = array<i32>} : memref<96x64xf32, #tpu.memory_space<vmem>>, vector<16xf32>,
        %add3A_180 = arith.addf %add3A_156, %get3A_179 : vector<16xf32>
        %add3A_181 = arith.constant 1 : i32
        %add3A_182 = arith.addi %multiple_of3A_151, %add3A_181 : i32
        %get3A_183 = arith.index_cast %add3A_182 : i32 to index
        %get3A_184 = arith.constant 16 : index
        %get3A_185 = tpu.vector_load %arg7[%get3A_183, %get3A_184] {strides = array<i32>} : memref<96x64xf32, #tpu.memory_space<vmem>>, vector<16xf32>,
        %add3A_186 = arith.addf %add3A_162, %get3A_185 : vector<16xf32>
        %add3A_187 = arith.constant 1 : i32
        %add3A_188 = arith.addi %multiple_of3A_151, %add3A_187 : i32
        %get3A_189 = arith.index_cast %add3A_188 : i32 to index
        %get3A_190 = arith.constant 32 : index
        %get3A_191 = tpu.vector_load %arg7[%get3A_189, %get3A_190] {strides = array<i32>} : memref<96x64xf32, #tpu.memory_space<vmem>>, vector<16xf32>,
        %add3A_192 = arith.addf %add3A_168, %get3A_191 : vector<16xf32>
        %add3A_193 = arith.constant 1 : i32
        %add3A_194 = arith.addi %multiple_of3A_151, %add3A_193 : i32
        %get3A_195 = arith.index_cast %add3A_194 : i32 to index
        %get3A_196 = arith.constant 48 : index
        %get3A_197 = tpu.vector_load %arg7[%get3A_195, %get3A_196] {strides = array<i32>} : memref<96x64xf32, #tpu.memory_space<vmem>>, vector<16xf32>,
        %add3A_198 = arith.addf %add3A_174, %get3A_197 : vector<16xf32>
        %add3A_199 = arith.constant 2 : i32
        %add3A_200 = arith.addi %multiple_of3A_151, %add3A_199 : i32
        %get3A_201 = arith.index_cast %add3A_200 : i32 to index
        %get3A_202 = arith.constant 0 : index
        %get3A_203 = tpu.vector_load %arg7[%get3A_201, %get3A_202] {strides = array<i32>} : memref<96x64xf32, #tpu.memory_space<vmem>>, vector<16xf32>,
        %add3A_204 = arith.addf %add3A_180, %get3A_203 : vector<16xf32>
        %add3A_205 = arith.constant 2 : i32
        %add3A_206 = arith.addi %multiple_of3A_151, %add3A_205 : i32
        %get3A_207 = arith.index_cast %add3A_206 : i32 to index
        %get3A_208 = arith.constant 16 : index
        %get3A_209 = tpu.vector_load %arg7[%get3A_207, %get3A_208] {strides = array<i32>} : memref<96x64xf32, #tpu.memory_space<vmem>>, vector<16xf32>,
        %add3A_210 = arith.addf %add3A_186, %get3A_209 : vector<16xf32>
        %add3A_211 = arith.constant 2 : i32
        %add3A_212 = arith.addi %multiple_of3A_151, %add3A_211 : i32
        %get3A_213 = arith.index_cast %add3A_212 : i32 to index
        %get3A_214 = arith.constant 32 : index
        %get3A_215 = tpu.vector_load %arg7[%get3A_213, %get3A_214] {strides = array<i32>} : memref<96x64xf32, #tpu.memory_space<vmem>>, vector<16xf32>,
        %add3A_216 = arith.addf %add3A_192, %get3A_215 : vector<16xf32>
        %add3A_217 = arith.constant 2 : i32
        %add3A_218 = arith.addi %multiple_of3A_151, %add3A_217 : i32
        %get3A_219 = arith.index_cast %add3A_218 : i32 to index
        %get3A_220 = arith.constant 48 : index
        %get3A_221 = tpu.vector_load %arg7[%get3A_219, %get3A_220] {strides = array<i32>} : memref<96x64xf32, #tpu.memory_space<vmem>>, vector<16xf32>,
        %add3A_222 = arith.addf %add3A_198, %get3A_221 : vector<16xf32>
        %add3A_223 = arith.constant 3 : i32
        %add3A_224 = arith.addi %multiple_of3A_151, %add3A_223 : i32
        %get3A_225 = arith.index_cast %add3A_224 : i32 to index
        %get3A_226 = arith.constant 0 : index
        %get3A_227 = tpu.vector_load %arg7[%get3A_225, %get3A_226] {strides = array<i32>} : memref<96x64xf32, #tpu.memory_space<vmem>>, vector<16xf32>,
        %add3A_228 = arith.addf %add3A_204, %get3A_227 : vector<16xf32>
        %add3A_229 = arith.constant 3 : i32
        %add3A_230 = arith.addi %multiple_of3A_151, %add3A_229 : i32
        %get3A_231 = arith.index_cast %add3A_230 : i32 to index
        %get3A_232 = arith.constant 16 : index
        %get3A_233 = tpu.vector_load %arg7[%get3A_231, %get3A_232] {strides = array<i32>} : memref<96x64xf32, #tpu.memory_space<vmem>>, vector<16xf32>,
        %add3A_234 = arith.addf %add3A_210, %get3A_233 : vector<16xf32>
        %add3A_235 = arith.constant 3 : i32
        %add3A_236 = arith.addi %multiple_of3A_151, %add3A_235 : i32
        %get3A_237 = arith.index_cast %add3A_236 : i32 to index
        %get3A_238 = arith.constant 32 : index
        %get3A_239 = tpu.vector_load %arg7[%get3A_237, %get3A_238] {strides = array<i32>} : memref<96x64xf32, #tpu.memory_space<vmem>>, vector<16xf32>,
        %add3A_240 = arith.addf %add3A_216, %get3A_239 : vector<16xf32>
        %add3A_241 = arith.constant 3 : i32
        %add3A_242 = arith.addi %multiple_of3A_151, %add3A_241 : i32
        %get3A_243 = arith.index_cast %add3A_242 : i32 to index
        %get3A_244 = arith.constant 48 : index
        %get3A_245 = tpu.vector_load %arg7[%get3A_243, %get3A_244] {strides = array<i32>} : memref<96x64xf32, #tpu.memory_space<vmem>>, vector<16xf32>,
        %add3A_246 = arith.addf %add3A_222, %get3A_245 : vector<16xf32>
        %add3A_247 = arith.constant 4 : i32
        %add3A_248 = arith.addi %multiple_of3A_151, %add3A_247 : i32
        %get3A_249 = arith.index_cast %add3A_248 : i32 to index
        %get3A_250 = arith.constant 0 : index
        %get3A_251 = tpu.vector_load %arg7[%get3A_249, %get3A_250] {strides = array<i32>} : memref<96x64xf32, #tpu.memory_space<vmem>>, vector<16xf32>,
        %add3A_252 = arith.addf %add3A_228, %get3A_251 : vector<16xf32>
        %add3A_253 = arith.constant 4 : i32
        %add3A_254 = arith.addi %multiple_of3A_151, %add3A_253 : i32
        %get3A_255 = arith.index_cast %add3A_254 : i32 to index
        %get3A_256 = arith.constant 16 : index
        %get3A_257 = tpu.vector_load %arg7[%get3A_255, %get3A_256] {strides = array<i32>} : memref<96x64xf32, #tpu.memory_space<vmem>>, vector<16xf32>,
        %add3A_258 = arith.addf %add3A_234, %get3A_257 : vector<16xf32>
        %add3A_259 = arith.constant 4 : i32
        %add3A_260 = arith.addi %multiple_of3A_151, %add3A_259 : i32
        %get3A_261 = arith.index_cast %add3A_260 : i32 to index
        %get3A_262 = arith.constant 32 : index
        %get3A_263 = tpu.vector_load %arg7[%get3A_261, %get3A_262] {strides = array<i32>} : memref<96x64xf32, #tpu.memory_space<vmem>>, vector<16xf32>,
        %add3A_264 = arith.addf %add3A_240, %get3A_263 : vector<16xf32>
        %add3A_265 = arith.constant 4 : i32
        %add3A_266 = arith.addi %multiple_of3A_151, %add3A_265 : i32
        %get3A_267 = arith.index_cast %add3A_266 : i32 to index
        %get3A_268 = arith.constant 48 : index
        %get3A_269 = tpu.vector_load %arg7[%get3A_267, %get3A_268] {strides = array<i32>} : memref<96x64xf32, #tpu.memory_space<vmem>>, vector<16xf32>,
        %add3A_270 = arith.addf %add3A_246, %get3A_269 : vector<16xf32>
        %add3A_271 = arith.constant 5 : i32
        %add3A_272 = arith.addi %multiple_of3A_151, %add3A_271 : i32
        %get3A_273 = arith.index_cast %add3A_272 : i32 to index
        %get3A_274 = arith.constant 0 : index
        %get3A_275 = tpu.vector_load %arg7[%get3A_273, %get3A_274] {strides = array<i32>} : memref<96x64xf32, #tpu.memory_space<vmem>>, vector<16xf32>,
        %add3A_276 = arith.addf %add3A_252, %get3A_275 : vector<16xf32>
        %add3A_277 = arith.constant 5 : i32
        %add3A_278 = arith.addi %multiple_of3A_151, %add3A_277 : i32
        %get3A_279 = arith.index_cast %add3A_278 : i32 to index
        %get3A_280 = arith.constant 16 : index
        %get3A_281 = tpu.vector_load %arg7[%get3A_279, %get3A_280] {strides = array<i32>} : memref<96x64xf32, #tpu.memory_space<vmem>>, vector<16xf32>,
        %add3A_282 = arith.addf %add3A_258, %get3A_281 : vector<16xf32>
        %add3A_283 = arith.constant 5 : i32
        %add3A_284 = arith.addi %multiple_of3A_151, %add3A_283 : i32
        %get3A_285 = arith.index_cast %add3A_284 : i32 to index
        %get3A_286 = arith.constant 32 : index
        %get3A_287 = tpu.vector_load %arg7[%get3A_285, %get3A_286] {strides = array<i32>} : memref<96x64xf32, #tpu.memory_space<vmem>>, vector<16xf32>,
        %add3A_288 = arith.addf %add3A_264, %get3A_287 : vector<16xf32>
        %add3A_289 = arith.constant 5 : i32
        %add3A_290 = arith.addi %multiple_of3A_151, %add3A_289 : i32
        %get3A_291 = arith.index_cast %add3A_290 : i32 to index
        %get3A_292 = arith.constant 48 : index
        %get3A_293 = tpu.vector_load %arg7[%get3A_291, %get3A_292] {strides = array<i32>} : memref<96x64xf32, #tpu.memory_space<vmem>>, vector<16xf32>,
        %add3A_294 = arith.addf %add3A_270, %get3A_293 : vector<16xf32>
        %add3A_295 = arith.constant 6 : i32
        %add3A_296 = arith.addi %multiple_of3A_151, %add3A_295 : i32
        %get3A_297 = arith.index_cast %add3A_296 : i32 to index
        %get3A_298 = arith.constant 0 : index
        %get3A_299 = tpu.vector_load %arg7[%get3A_297, %get3A_298] {strides = array<i32>} : memref<96x64xf32, #tpu.memory_space<vmem>>, vector<16xf32>,
        %add3A_300 = arith.addf %add3A_276, %get3A_299 : vector<16xf32>
        %add3A_301 = arith.constant 6 : i32
        %add3A_302 = arith.addi %multiple_of3A_151, %add3A_301 : i32
        %get3A_303 = arith.index_cast %add3A_302 : i32 to index
        %get3A_304 = arith.constant 16 : index
        %get3A_305 = tpu.vector_load %arg7[%get3A_303, %get3A_304] {strides = array<i32>} : memref<96x64xf32, #tpu.memory_space<vmem>>, vector<16xf32>,
        %add3A_306 = arith.addf %add3A_282, %get3A_305 : vector<16xf32>
        %add3A_307 = arith.constant 6 : i32
        %add3A_308 = arith.addi %multiple_of3A_151, %add3A_307 : i32
        %get3A_309 = arith.index_cast %add3A_308 : i32 to index
        %get3A_310 = arith.constant 32 : index
        %get3A_311 = tpu.vector_load %arg7[%get3A_309, %get3A_310] {strides = array<i32>} : memref<96x64xf32, #tpu.memory_space<vmem>>, vector<16xf32>,
        %add3A_312 = arith.addf %add3A_288, %get3A_311 : vector<16xf32>
        %add3A_313 = arith.constant 6 : i32
        %add3A_314 = arith.addi %multiple_of3A_151, %add3A_313 : i32
        %get3A_315 = arith.index_cast %add3A_314 : i32 to index
        %get3A_316 = arith.constant 48 : index
        %get3A_317 = tpu.vector_load %arg7[%get3A_315, %get3A_316] {strides = array<i32>} : memref<96x64xf32, #tpu.memory_space<vmem>>, vector<16xf32>,
        %add3A_318 = arith.addf %add3A_294, %get3A_317 : vector<16xf32>
        %add3A_319 = arith.constant 7 : i32
        %add3A_320 = arith.addi %multiple_of3A_151, %add3A_319 : i32
        %get3A_321 = arith.index_cast %add3A_320 : i32 to index
        %get3A_322 = arith.constant 0 : index
        %get3A_323 = tpu.vector_load %arg7[%get3A_321, %get3A_322] {strides = array<i32>} : memref<96x64xf32, #tpu.memory_space<vmem>>, vector<16xf32>,
        %add3A_324 = arith.addf %add3A_300, %get3A_323 : vector<16xf32>
        %add3A_325 = arith.constant 7 : i32
        %add3A_326 = arith.addi %multiple_of3A_151, %add3A_325 : i32
        %get3A_327 = arith.index_cast %add3A_326 : i32 to index
        %get3A_328 = arith.constant 16 : index
        %get3A_329 = tpu.vector_load %arg7[%get3A_327, %get3A_328] {strides = array<i32>} : memref<96x64xf32, #tpu.memory_space<vmem>>, vector<16xf32>,
        %add3A_330 = arith.addf %add3A_306, %get3A_329 : vector<16xf32>
        %add3A_331 = arith.constant 7 : i32
        %add3A_332 = arith.addi %multiple_of3A_151, %add3A_331 : i32
        %get3A_333 = arith.index_cast %add3A_332 : i32 to index
        %get3A_334 = arith.constant 32 : index
        %get3A_335 = tpu.vector_load %arg7[%get3A_333, %get3A_334] {strides = array<i32>} : memref<96x64xf32, #tpu.memory_space<vmem>>, vector<16xf32>,
        %add3A_336 = arith.addf %add3A_312, %get3A_335 : vector<16xf32>
        %add3A_337 = arith.constant 7 : i32
        %add3A_338 = arith.addi %multiple_of3A_151, %add3A_337 : i32
        %get3A_339 = arith.index_cast %add3A_338 : i32 to index
        %get3A_340 = arith.constant 48 : index
        %get3A_341 = tpu.vector_load %arg7[%get3A_339, %get3A_340] {strides = array<i32>} : memref<96x64xf32, #tpu.memory_space<vmem>>, vector<16xf32>,
        %add3A_342 = arith.addf %add3A_318, %get3A_341 : vector<16xf32>
        scf.yield %add3A_324, %add3A_330, %add3A_336, %add3A_342 : vector<16xf32>, vector<16xf32>, vector<16xf32>, vector<16xf32>
      }
      %scan3A_62 = arith.constant 12 : i32
      %mul3A_63 = arith.constant 64 : i32
      %mul3A_64 = arith.muli %mul3A_25, %mul3A_63 : i32
      %multiple_of3A_65 = tpu.assume_multiple %mul3A_64, 8 : i32
      %mul3A_66 = vector.broadcast %scan3A_15 : f32 to vector<16xf32>
      %mul3A_67 = arith.mulf %scan3A_61#0, %mul3A_66 : vector<16xf32>
      %add3A_68 = arith.constant 0 : i32
      %add3A_69 = arith.addi %multiple_of3A_65, %add3A_68 : i32
      %swap3A = arith.index_cast %add3A_69 : i32 to index
      %swap3A_70 = tpu.vector_load %arg10[%swap3A] {strides = array<i32>} : memref<8192xf32, #tpu.memory_space<vmem>>, vector<16xf32>,
      tpu.vector_store %arg10[%swap3A], %mul3A_67 {strides = array<i32>} : memref<8192xf32, #tpu.memory_space<vmem>>, vector<16xf32>,
      %mul3A_71 = vector.broadcast %scan3A_15 : f32 to vector<16xf32>
      %mul3A_72 = arith.mulf %scan3A_61#1, %mul3A_71 : vector<16xf32>
      %add3A_73 = arith.constant 16 : i32
      %add3A_74 = arith.addi %multiple_of3A_65, %add3A_73 : i32
      %swap3A_75 = arith.index_cast %add3A_74 : i32 to index
      %swap3A_76 = tpu.vector_load %arg10[%swap3A_75] {strides = array<i32>} : memref<8192xf32, #tpu.memory_space<vmem>>, vector<16xf32>,
      tpu.vector_store %arg10[%swap3A_75], %mul3A_72 {strides = array<i32>} : memref<8192xf32, #tpu.memory_space<vmem>>, vector<16xf32>,
      %mul3A_77 = vector.broadcast %scan3A_15 : f32 to vector<16xf32>
      %mul3A_78 = arith.mulf %scan3A_61#2, %mul3A_77 : vector<16xf32>
      %add3A_79 = arith.constant 32 : i32
      %add3A_80 = arith.addi %multiple_of3A_65, %add3A_79 : i32
      %swap3A_81 = arith.index_cast %add3A_80 : i32 to index
      %swap3A_82 = tpu.vector_load %arg10[%swap3A_81] {strides = array<i32>} : memref<8192xf32, #tpu.memory_space<vmem>>, vector<16xf32>,
      tpu.vector_store %arg10[%swap3A_81], %mul3A_78 {strides = array<i32>} : memref<8192xf32, #tpu.memory_space<vmem>>, vector<16xf32>,
      %mul3A_83 = vector.broadcast %scan3A_15 : f32 to vector<16xf32>
      %mul3A_84 = arith.mulf %scan3A_61#3, %mul3A_83 : vector<16xf32>
      %add3A_85 = arith.constant 48 : i32
      %add3A_86 = arith.addi %multiple_of3A_65, %add3A_85 : i32
      %swap3A_87 = arith.index_cast %add3A_86 : i32 to index
      %swap3A_88 = tpu.vector_load %arg10[%swap3A_87] {strides = array<i32>} : memref<8192xf32, #tpu.memory_space<vmem>>, vector<16xf32>,
      tpu.vector_store %arg10[%swap3A_87], %mul3A_84 {strides = array<i32>} : memref<8192xf32, #tpu.memory_space<vmem>>, vector<16xf32>,
      %lt3A = arith.constant 63 : i32
      %lt3A_89 = arith.cmpi slt, %scan3A_23, %lt3A : i32
      %convert_element_type3A = arith.extui %lt3A_89 : i1 to i32
      %cond3A = arith.constant 0 : i32
      %cond3A_90 = arith.cmpi ne, %convert_element_type3A, %cond3A : i32
      scf.if %cond3A_90 {
        %add3A_144 = arith.constant 2 : i32
        %add3A_145 = arith.addi %mul3A_25, %add3A_144 : i32
        %mul3A_146 = arith.constant 200 : i32
        %mul3A_147 = arith.muli %add3A_145, %mul3A_146 : i32
        %multiple_of3A_148 = tpu.assume_multiple %mul3A_147, 8 : i32
        %dma_start3A_149 = tpu.memref_slice %arg5[%multiple_of3A_148] : memref<25600xi32, #tpu.memory_space<vmem>> -> memref<104xi32, #tpu.memory_space<vmem>>
        %dma_start3A_150 = arith.constant 0 : i32
        %dma_start3A_151 = arith.constant 0 : i32
        %dma_start3A_152 = tpu.memref_slice %arg2[%dma_start3A_150, %dma_start3A_151] : memref<1015808x64xf32, #tpu.memory_space<hbm>> -> memref<1015808x64xf32, #tpu.memory_space<hbm>>
        tpu.enqueue_indirect_dma source(%dma_start3A_152 : memref<1015808x64xf32, #tpu.memory_space<hbm>>) target(%arg6 : memref<104x64xf32, #tpu.memory_space<vmem>>) offsets(%dma_start3A_149 : memref<104xi32, #tpu.memory_space<vmem>>) semaphore(%arg11 : memref<!tpu.dma_semaphore, #tpu.memory_space<semaphore_mem>>)
        %add3A_153 = arith.constant 104 : i32
        %add3A_154 = arith.addi %multiple_of3A_148, %add3A_153 : i32
        %dma_start3A_155 = tpu.memref_slice %arg5[%add3A_154] : memref<25600xi32, #tpu.memory_space<vmem>> -> memref<96xi32, #tpu.memory_space<vmem>>
        %dma_start3A_156 = arith.constant 0 : i32
        %dma_start3A_157 = arith.constant 0 : i32
        %dma_start3A_158 = tpu.memref_slice %arg2[%dma_start3A_156, %dma_start3A_157] : memref<1015808x64xf32, #tpu.memory_space<hbm>> -> memref<1015808x64xf32, #tpu.memory_space<hbm>>
        tpu.enqueue_indirect_dma source(%dma_start3A_158 : memref<1015808x64xf32, #tpu.memory_space<hbm>>) target(%arg7 : memref<96x64xf32, #tpu.memory_space<vmem>>) offsets(%dma_start3A_155 : memref<96xi32, #tpu.memory_space<vmem>>) semaphore(%arg12 : memref<!tpu.dma_semaphore, #tpu.memory_space<semaphore_mem>>)
      } else {
      }
      %dma_wait3A_91 = arith.constant 0 : i32
      %dma_wait3A_92 = tpu.memref_slice %arg5[%dma_wait3A_91] : memref<25600xi32, #tpu.memory_space<vmem>> -> memref<104xi32, #tpu.memory_space<vmem>>
      %dma_wait3A_93 = arith.constant 0 : i32
      %dma_wait3A_94 = arith.constant 0 : i32
      %dma_wait3A_95 = tpu.memref_slice %arg2[%dma_wait3A_93, %dma_wait3A_94] : memref<1015808x64xf32, #tpu.memory_space<hbm>> -> memref<1015808x64xf32, #tpu.memory_space<hbm>>
      tpu.wait_indirect_dma semaphore(%arg13 : memref<!tpu.dma_semaphore, #tpu.memory_space<semaphore_mem>>) src(%dma_wait3A_95 : memref<1015808x64xf32, #tpu.memory_space<hbm>>) dst(%arg8 : memref<104x64xf32, #tpu.memory_space<vmem>>)
      %dma_wait3A_96 = arith.constant 104 : i32
      %dma_wait3A_97 = tpu.memref_slice %arg5[%dma_wait3A_96] : memref<25600xi32, #tpu.memory_space<vmem>> -> memref<96xi32, #tpu.memory_space<vmem>>
      %dma_wait3A_98 = arith.constant 0 : i32
      %dma_wait3A_99 = arith.constant 0 : i32
      %dma_wait3A_100 = tpu.memref_slice %arg2[%dma_wait3A_98, %dma_wait3A_99] : memref<1015808x64xf32, #tpu.memory_space<hbm>> -> memref<1015808x64xf32, #tpu.memory_space<hbm>>
      tpu.wait_indirect_dma semaphore(%arg14 : memref<!tpu.dma_semaphore, #tpu.memory_space<semaphore_mem>>) src(%dma_wait3A_100 : memref<1015808x64xf32, #tpu.memory_space<hbm>>) dst(%arg9 : memref<96x64xf32, #tpu.memory_space<vmem>>)
      %add3A_101 = arith.constant 1 : i32
      %add3A_102 = arith.addi %mul3A_25, %add3A_101 : i32
      %broadcast_in_dim3A_103 = arith.constant 0.000000e+00 : f32
      %broadcast_in_dim3A_104 = vector.broadcast %broadcast_in_dim3A_103 : f32 to vector<16xf32>
      %scan3A_105 = arith.constant 0 : i32
      %scan3A_106 = arith.constant 13 : i32
      %scan3A_107 = arith.addi %scan3A_105, %scan3A_106 : i32
      %scan3A_108 = arith.constant 1 : i32
      %scan3A_109:4 = scf.for %scan3A_144 = %scan3A_105 to %scan3A_107 step %scan3A_108 iter_args(%scan3A_145 = %broadcast_in_dim3A_104, %scan3A_146 = %broadcast_in_dim3A_104, %scan3A_147 = %broadcast_in_dim3A_104, %scan3A_148 = %broadcast_in_dim3A_104) -> (vector<16xf32>, vector<16xf32>, vector<16xf32>, vector<16xf32>)  : i32 {
        %mul3A_149 = arith.constant 8 : i32
        %mul3A_150 = arith.muli %scan3A_144, %mul3A_149 : i32
        %multiple_of3A_151 = tpu.assume_multiple %mul3A_150, 8 : i32
        %add3A_152 = arith.constant 0 : i32
        %add3A_153 = arith.addi %multiple_of3A_151, %add3A_152 : i32
        %get3A = arith.index_cast %add3A_153 : i32 to index
        %get3A_154 = arith.constant 0 : index
        %get3A_155 = tpu.vector_load %arg8[%get3A, %get3A_154] {strides = array<i32>} : memref<104x64xf32, #tpu.memory_space<vmem>>, vector<16xf32>,
        %add3A_156 = arith.addf %scan3A_145, %get3A_155 : vector<16xf32>
        %add3A_157 = arith.constant 0 : i32
        %add3A_158 = arith.addi %multiple_of3A_151, %add3A_157 : i32
        %get3A_159 = arith.index_cast %add3A_158 : i32 to index
        %get3A_160 = arith.constant 16 : index
        %get3A_161 = tpu.vector_load %arg8[%get3A_159, %get3A_160] {strides = array<i32>} : memref<104x64xf32, #tpu.memory_space<vmem>>, vector<16xf32>,
        %add3A_162 = arith.addf %scan3A_146, %get3A_161 : vector<16xf32>
        %add3A_163 = arith.constant 0 : i32
        %add3A_164 = arith.addi %multiple_of3A_151, %add3A_163 : i32
        %get3A_165 = arith.index_cast %add3A_164 : i32 to index
        %get3A_166 = arith.constant 32 : index
        %get3A_167 = tpu.vector_load %arg8[%get3A_165, %get3A_166] {strides = array<i32>} : memref<104x64xf32, #tpu.memory_space<vmem>>, vector<16xf32>,
        %add3A_168 = arith.addf %scan3A_147, %get3A_167 : vector<16xf32>
        %add3A_169 = arith.constant 0 : i32
        %add3A_170 = arith.addi %multiple_of3A_151, %add3A_169 : i32
        %get3A_171 = arith.index_cast %add3A_170 : i32 to index
        %get3A_172 = arith.constant 48 : index
        %get3A_173 = tpu.vector_load %arg8[%get3A_171, %get3A_172] {strides = array<i32>} : memref<104x64xf32, #tpu.memory_space<vmem>>, vector<16xf32>,
        %add3A_174 = arith.addf %scan3A_148, %get3A_173 : vector<16xf32>
        %add3A_175 = arith.constant 1 : i32
        %add3A_176 = arith.addi %multiple_of3A_151, %add3A_175 : i32
        %get3A_177 = arith.index_cast %add3A_176 : i32 to index
        %get3A_178 = arith.constant 0 : index
        %get3A_179 = tpu.vector_load %arg8[%get3A_177, %get3A_178] {strides = array<i32>} : memref<104x64xf32, #tpu.memory_space<vmem>>, vector<16xf32>,
        %add3A_180 = arith.addf %add3A_156, %get3A_179 : vector<16xf32>
        %add3A_181 = arith.constant 1 : i32
        %add3A_182 = arith.addi %multiple_of3A_151, %add3A_181 : i32
        %get3A_183 = arith.index_cast %add3A_182 : i32 to index
        %get3A_184 = arith.constant 16 : index
        %get3A_185 = tpu.vector_load %arg8[%get3A_183, %get3A_184] {strides = array<i32>} : memref<104x64xf32, #tpu.memory_space<vmem>>, vector<16xf32>,
        %add3A_186 = arith.addf %add3A_162, %get3A_185 : vector<16xf32>
        %add3A_187 = arith.constant 1 : i32
        %add3A_188 = arith.addi %multiple_of3A_151, %add3A_187 : i32
        %get3A_189 = arith.index_cast %add3A_188 : i32 to index
        %get3A_190 = arith.constant 32 : index
        %get3A_191 = tpu.vector_load %arg8[%get3A_189, %get3A_190] {strides = array<i32>} : memref<104x64xf32, #tpu.memory_space<vmem>>, vector<16xf32>,
        %add3A_192 = arith.addf %add3A_168, %get3A_191 : vector<16xf32>
        %add3A_193 = arith.constant 1 : i32
        %add3A_194 = arith.addi %multiple_of3A_151, %add3A_193 : i32
        %get3A_195 = arith.index_cast %add3A_194 : i32 to index
        %get3A_196 = arith.constant 48 : index
        %get3A_197 = tpu.vector_load %arg8[%get3A_195, %get3A_196] {strides = array<i32>} : memref<104x64xf32, #tpu.memory_space<vmem>>, vector<16xf32>,
        %add3A_198 = arith.addf %add3A_174, %get3A_197 : vector<16xf32>
        %add3A_199 = arith.constant 2 : i32
        %add3A_200 = arith.addi %multiple_of3A_151, %add3A_199 : i32
        %get3A_201 = arith.index_cast %add3A_200 : i32 to index
        %get3A_202 = arith.constant 0 : index
        %get3A_203 = tpu.vector_load %arg8[%get3A_201, %get3A_202] {strides = array<i32>} : memref<104x64xf32, #tpu.memory_space<vmem>>, vector<16xf32>,
        %add3A_204 = arith.addf %add3A_180, %get3A_203 : vector<16xf32>
        %add3A_205 = arith.constant 2 : i32
        %add3A_206 = arith.addi %multiple_of3A_151, %add3A_205 : i32
        %get3A_207 = arith.index_cast %add3A_206 : i32 to index
        %get3A_208 = arith.constant 16 : index
        %get3A_209 = tpu.vector_load %arg8[%get3A_207, %get3A_208] {strides = array<i32>} : memref<104x64xf32, #tpu.memory_space<vmem>>, vector<16xf32>,
        %add3A_210 = arith.addf %add3A_186, %get3A_209 : vector<16xf32>
        %add3A_211 = arith.constant 2 : i32
        %add3A_212 = arith.addi %multiple_of3A_151, %add3A_211 : i32
        %get3A_213 = arith.index_cast %add3A_212 : i32 to index
        %get3A_214 = arith.constant 32 : index
        %get3A_215 = tpu.vector_load %arg8[%get3A_213, %get3A_214] {strides = array<i32>} : memref<104x64xf32, #tpu.memory_space<vmem>>, vector<16xf32>,
        %add3A_216 = arith.addf %add3A_192, %get3A_215 : vector<16xf32>
        %add3A_217 = arith.constant 2 : i32
        %add3A_218 = arith.addi %multiple_of3A_151, %add3A_217 : i32
        %get3A_219 = arith.index_cast %add3A_218 : i32 to index
        %get3A_220 = arith.constant 48 : index
        %get3A_221 = tpu.vector_load %arg8[%get3A_219, %get3A_220] {strides = array<i32>} : memref<104x64xf32, #tpu.memory_space<vmem>>, vector<16xf32>,
        %add3A_222 = arith.addf %add3A_198, %get3A_221 : vector<16xf32>
        %add3A_223 = arith.constant 3 : i32
        %add3A_224 = arith.addi %multiple_of3A_151, %add3A_223 : i32
        %get3A_225 = arith.index_cast %add3A_224 : i32 to index
        %get3A_226 = arith.constant 0 : index
        %get3A_227 = tpu.vector_load %arg8[%get3A_225, %get3A_226] {strides = array<i32>} : memref<104x64xf32, #tpu.memory_space<vmem>>, vector<16xf32>,
        %add3A_228 = arith.addf %add3A_204, %get3A_227 : vector<16xf32>
        %add3A_229 = arith.constant 3 : i32
        %add3A_230 = arith.addi %multiple_of3A_151, %add3A_229 : i32
        %get3A_231 = arith.index_cast %add3A_230 : i32 to index
        %get3A_232 = arith.constant 16 : index
        %get3A_233 = tpu.vector_load %arg8[%get3A_231, %get3A_232] {strides = array<i32>} : memref<104x64xf32, #tpu.memory_space<vmem>>, vector<16xf32>,
        %add3A_234 = arith.addf %add3A_210, %get3A_233 : vector<16xf32>
        %add3A_235 = arith.constant 3 : i32
        %add3A_236 = arith.addi %multiple_of3A_151, %add3A_235 : i32
        %get3A_237 = arith.index_cast %add3A_236 : i32 to index
        %get3A_238 = arith.constant 32 : index
        %get3A_239 = tpu.vector_load %arg8[%get3A_237, %get3A_238] {strides = array<i32>} : memref<104x64xf32, #tpu.memory_space<vmem>>, vector<16xf32>,
        %add3A_240 = arith.addf %add3A_216, %get3A_239 : vector<16xf32>
        %add3A_241 = arith.constant 3 : i32
        %add3A_242 = arith.addi %multiple_of3A_151, %add3A_241 : i32
        %get3A_243 = arith.index_cast %add3A_242 : i32 to index
        %get3A_244 = arith.constant 48 : index
        %get3A_245 = tpu.vector_load %arg8[%get3A_243, %get3A_244] {strides = array<i32>} : memref<104x64xf32, #tpu.memory_space<vmem>>, vector<16xf32>,
        %add3A_246 = arith.addf %add3A_222, %get3A_245 : vector<16xf32>
        %add3A_247 = arith.constant 4 : i32
        %add3A_248 = arith.addi %multiple_of3A_151, %add3A_247 : i32
        %get3A_249 = arith.index_cast %add3A_248 : i32 to index
        %get3A_250 = arith.constant 0 : index
        %get3A_251 = tpu.vector_load %arg8[%get3A_249, %get3A_250] {strides = array<i32>} : memref<104x64xf32, #tpu.memory_space<vmem>>, vector<16xf32>,
        %add3A_252 = arith.addf %add3A_228, %get3A_251 : vector<16xf32>
        %add3A_253 = arith.constant 4 : i32
        %add3A_254 = arith.addi %multiple_of3A_151, %add3A_253 : i32
        %get3A_255 = arith.index_cast %add3A_254 : i32 to index
        %get3A_256 = arith.constant 16 : index
        %get3A_257 = tpu.vector_load %arg8[%get3A_255, %get3A_256] {strides = array<i32>} : memref<104x64xf32, #tpu.memory_space<vmem>>, vector<16xf32>,
        %add3A_258 = arith.addf %add3A_234, %get3A_257 : vector<16xf32>
        %add3A_259 = arith.constant 4 : i32
        %add3A_260 = arith.addi %multiple_of3A_151, %add3A_259 : i32
        %get3A_261 = arith.index_cast %add3A_260 : i32 to index
        %get3A_262 = arith.constant 32 : index
        %get3A_263 = tpu.vector_load %arg8[%get3A_261, %get3A_262] {strides = array<i32>} : memref<104x64xf32, #tpu.memory_space<vmem>>, vector<16xf32>,
        %add3A_264 = arith.addf %add3A_240, %get3A_263 : vector<16xf32>
        %add3A_265 = arith.constant 4 : i32
        %add3A_266 = arith.addi %multiple_of3A_151, %add3A_265 : i32
        %get3A_267 = arith.index_cast %add3A_266 : i32 to index
        %get3A_268 = arith.constant 48 : index
        %get3A_269 = tpu.vector_load %arg8[%get3A_267, %get3A_268] {strides = array<i32>} : memref<104x64xf32, #tpu.memory_space<vmem>>, vector<16xf32>,
        %add3A_270 = arith.addf %add3A_246, %get3A_269 : vector<16xf32>
        %add3A_271 = arith.constant 5 : i32
        %add3A_272 = arith.addi %multiple_of3A_151, %add3A_271 : i32
        %get3A_273 = arith.index_cast %add3A_272 : i32 to index
        %get3A_274 = arith.constant 0 : index
        %get3A_275 = tpu.vector_load %arg8[%get3A_273, %get3A_274] {strides = array<i32>} : memref<104x64xf32, #tpu.memory_space<vmem>>, vector<16xf32>,
        %add3A_276 = arith.addf %add3A_252, %get3A_275 : vector<16xf32>
        %add3A_277 = arith.constant 5 : i32
        %add3A_278 = arith.addi %multiple_of3A_151, %add3A_277 : i32
        %get3A_279 = arith.index_cast %add3A_278 : i32 to index
        %get3A_280 = arith.constant 16 : index
        %get3A_281 = tpu.vector_load %arg8[%get3A_279, %get3A_280] {strides = array<i32>} : memref<104x64xf32, #tpu.memory_space<vmem>>, vector<16xf32>,
        %add3A_282 = arith.addf %add3A_258, %get3A_281 : vector<16xf32>
        %add3A_283 = arith.constant 5 : i32
        %add3A_284 = arith.addi %multiple_of3A_151, %add3A_283 : i32
        %get3A_285 = arith.index_cast %add3A_284 : i32 to index
        %get3A_286 = arith.constant 32 : index
        %get3A_287 = tpu.vector_load %arg8[%get3A_285, %get3A_286] {strides = array<i32>} : memref<104x64xf32, #tpu.memory_space<vmem>>, vector<16xf32>,
        %add3A_288 = arith.addf %add3A_264, %get3A_287 : vector<16xf32>
        %add3A_289 = arith.constant 5 : i32
        %add3A_290 = arith.addi %multiple_of3A_151, %add3A_289 : i32
        %get3A_291 = arith.index_cast %add3A_290 : i32 to index
        %get3A_292 = arith.constant 48 : index
        %get3A_293 = tpu.vector_load %arg8[%get3A_291, %get3A_292] {strides = array<i32>} : memref<104x64xf32, #tpu.memory_space<vmem>>, vector<16xf32>,
        %add3A_294 = arith.addf %add3A_270, %get3A_293 : vector<16xf32>
        %add3A_295 = arith.constant 6 : i32
        %add3A_296 = arith.addi %multiple_of3A_151, %add3A_295 : i32
        %get3A_297 = arith.index_cast %add3A_296 : i32 to index
        %get3A_298 = arith.constant 0 : index
        %get3A_299 = tpu.vector_load %arg8[%get3A_297, %get3A_298] {strides = array<i32>} : memref<104x64xf32, #tpu.memory_space<vmem>>, vector<16xf32>,
        %add3A_300 = arith.addf %add3A_276, %get3A_299 : vector<16xf32>
        %add3A_301 = arith.constant 6 : i32
        %add3A_302 = arith.addi %multiple_of3A_151, %add3A_301 : i32
        %get3A_303 = arith.index_cast %add3A_302 : i32 to index
        %get3A_304 = arith.constant 16 : index
        %get3A_305 = tpu.vector_load %arg8[%get3A_303, %get3A_304] {strides = array<i32>} : memref<104x64xf32, #tpu.memory_space<vmem>>, vector<16xf32>,
        %add3A_306 = arith.addf %add3A_282, %get3A_305 : vector<16xf32>
        %add3A_307 = arith.constant 6 : i32
        %add3A_308 = arith.addi %multiple_of3A_151, %add3A_307 : i32
        %get3A_309 = arith.index_cast %add3A_308 : i32 to index
        %get3A_310 = arith.constant 32 : index
        %get3A_311 = tpu.vector_load %arg8[%get3A_309, %get3A_310] {strides = array<i32>} : memref<104x64xf32, #tpu.memory_space<vmem>>, vector<16xf32>,
        %add3A_312 = arith.addf %add3A_288, %get3A_311 : vector<16xf32>
        %add3A_313 = arith.constant 6 : i32
        %add3A_314 = arith.addi %multiple_of3A_151, %add3A_313 : i32
        %get3A_315 = arith.index_cast %add3A_314 : i32 to index
        %get3A_316 = arith.constant 48 : index
        %get3A_317 = tpu.vector_load %arg8[%get3A_315, %get3A_316] {strides = array<i32>} : memref<104x64xf32, #tpu.memory_space<vmem>>, vector<16xf32>,
        %add3A_318 = arith.addf %add3A_294, %get3A_317 : vector<16xf32>
        %add3A_319 = arith.constant 7 : i32
        %add3A_320 = arith.addi %multiple_of3A_151, %add3A_319 : i32
        %get3A_321 = arith.index_cast %add3A_320 : i32 to index
        %get3A_322 = arith.constant 0 : index
        %get3A_323 = tpu.vector_load %arg8[%get3A_321, %get3A_322] {strides = array<i32>} : memref<104x64xf32, #tpu.memory_space<vmem>>, vector<16xf32>,
        %add3A_324 = arith.addf %add3A_300, %get3A_323 : vector<16xf32>
        %add3A_325 = arith.constant 7 : i32
        %add3A_326 = arith.addi %multiple_of3A_151, %add3A_325 : i32
        %get3A_327 = arith.index_cast %add3A_326 : i32 to index
        %get3A_328 = arith.constant 16 : index
        %get3A_329 = tpu.vector_load %arg8[%get3A_327, %get3A_328] {strides = array<i32>} : memref<104x64xf32, #tpu.memory_space<vmem>>, vector<16xf32>,
        %add3A_330 = arith.addf %add3A_306, %get3A_329 : vector<16xf32>
        %add3A_331 = arith.constant 7 : i32
        %add3A_332 = arith.addi %multiple_of3A_151, %add3A_331 : i32
        %get3A_333 = arith.index_cast %add3A_332 : i32 to index
        %get3A_334 = arith.constant 32 : index
        %get3A_335 = tpu.vector_load %arg8[%get3A_333, %get3A_334] {strides = array<i32>} : memref<104x64xf32, #tpu.memory_space<vmem>>, vector<16xf32>,
        %add3A_336 = arith.addf %add3A_312, %get3A_335 : vector<16xf32>
        %add3A_337 = arith.constant 7 : i32
        %add3A_338 = arith.addi %multiple_of3A_151, %add3A_337 : i32
        %get3A_339 = arith.index_cast %add3A_338 : i32 to index
        %get3A_340 = arith.constant 48 : index
        %get3A_341 = tpu.vector_load %arg8[%get3A_339, %get3A_340] {strides = array<i32>} : memref<104x64xf32, #tpu.memory_space<vmem>>, vector<16xf32>,
        %add3A_342 = arith.addf %add3A_318, %get3A_341 : vector<16xf32>
        scf.yield %add3A_324, %add3A_330, %add3A_336, %add3A_342 : vector<16xf32>, vector<16xf32>, vector<16xf32>, vector<16xf32>
      }
      %scan3A_110 = arith.constant 13 : i32
      %scan3A_111 = arith.constant 0 : i32
      %scan3A_112 = arith.constant 12 : i32
      %scan3A_113 = arith.addi %scan3A_111, %scan3A_112 : i32
      %scan3A_114 = arith.constant 1 : i32
      %scan3A_115:4 = scf.for %scan3A_144 = %scan3A_111 to %scan3A_113 step %scan3A_114 iter_args(%scan3A_145 = %scan3A_109#0, %scan3A_146 = %scan3A_109#1, %scan3A_147 = %scan3A_109#2, %scan3A_148 = %scan3A_109#3) -> (vector<16xf32>, vector<16xf32>, vector<16xf32>, vector<16xf32>)  : i32 {
        %mul3A_149 = arith.constant 8 : i32
        %mul3A_150 = arith.muli %scan3A_144, %mul3A_149 : i32
        %multiple_of3A_151 = tpu.assume_multiple %mul3A_150, 8 : i32
        %add3A_152 = arith.constant 0 : i32
        %add3A_153 = arith.addi %multiple_of3A_151, %add3A_152 : i32
        %get3A = arith.index_cast %add3A_153 : i32 to index
        %get3A_154 = arith.constant 0 : index
        %get3A_155 = tpu.vector_load %arg9[%get3A, %get3A_154] {strides = array<i32>} : memref<96x64xf32, #tpu.memory_space<vmem>>, vector<16xf32>,
        %add3A_156 = arith.addf %scan3A_145, %get3A_155 : vector<16xf32>
        %add3A_157 = arith.constant 0 : i32
        %add3A_158 = arith.addi %multiple_of3A_151, %add3A_157 : i32
        %get3A_159 = arith.index_cast %add3A_158 : i32 to index
        %get3A_160 = arith.constant 16 : index
        %get3A_161 = tpu.vector_load %arg9[%get3A_159, %get3A_160] {strides = array<i32>} : memref<96x64xf32, #tpu.memory_space<vmem>>, vector<16xf32>,
        %add3A_162 = arith.addf %scan3A_146, %get3A_161 : vector<16xf32>
        %add3A_163 = arith.constant 0 : i32
        %add3A_164 = arith.addi %multiple_of3A_151, %add3A_163 : i32
        %get3A_165 = arith.index_cast %add3A_164 : i32 to index
        %get3A_166 = arith.constant 32 : index
        %get3A_167 = tpu.vector_load %arg9[%get3A_165, %get3A_166] {strides = array<i32>} : memref<96x64xf32, #tpu.memory_space<vmem>>, vector<16xf32>,
        %add3A_168 = arith.addf %scan3A_147, %get3A_167 : vector<16xf32>
        %add3A_169 = arith.constant 0 : i32
        %add3A_170 = arith.addi %multiple_of3A_151, %add3A_169 : i32
        %get3A_171 = arith.index_cast %add3A_170 : i32 to index
        %get3A_172 = arith.constant 48 : index
        %get3A_173 = tpu.vector_load %arg9[%get3A_171, %get3A_172] {strides = array<i32>} : memref<96x64xf32, #tpu.memory_space<vmem>>, vector<16xf32>,
        %add3A_174 = arith.addf %scan3A_148, %get3A_173 : vector<16xf32>
        %add3A_175 = arith.constant 1 : i32
        %add3A_176 = arith.addi %multiple_of3A_151, %add3A_175 : i32
        %get3A_177 = arith.index_cast %add3A_176 : i32 to index
        %get3A_178 = arith.constant 0 : index
        %get3A_179 = tpu.vector_load %arg9[%get3A_177, %get3A_178] {strides = array<i32>} : memref<96x64xf32, #tpu.memory_space<vmem>>, vector<16xf32>,
        %add3A_180 = arith.addf %add3A_156, %get3A_179 : vector<16xf32>
        %add3A_181 = arith.constant 1 : i32
        %add3A_182 = arith.addi %multiple_of3A_151, %add3A_181 : i32
        %get3A_183 = arith.index_cast %add3A_182 : i32 to index
        %get3A_184 = arith.constant 16 : index
        %get3A_185 = tpu.vector_load %arg9[%get3A_183, %get3A_184] {strides = array<i32>} : memref<96x64xf32, #tpu.memory_space<vmem>>, vector<16xf32>,
        %add3A_186 = arith.addf %add3A_162, %get3A_185 : vector<16xf32>
        %add3A_187 = arith.constant 1 : i32
        %add3A_188 = arith.addi %multiple_of3A_151, %add3A_187 : i32
        %get3A_189 = arith.index_cast %add3A_188 : i32 to index
        %get3A_190 = arith.constant 32 : index
        %get3A_191 = tpu.vector_load %arg9[%get3A_189, %get3A_190] {strides = array<i32>} : memref<96x64xf32, #tpu.memory_space<vmem>>, vector<16xf32>,
        %add3A_192 = arith.addf %add3A_168, %get3A_191 : vector<16xf32>
        %add3A_193 = arith.constant 1 : i32
        %add3A_194 = arith.addi %multiple_of3A_151, %add3A_193 : i32
        %get3A_195 = arith.index_cast %add3A_194 : i32 to index
        %get3A_196 = arith.constant 48 : index
        %get3A_197 = tpu.vector_load %arg9[%get3A_195, %get3A_196] {strides = array<i32>} : memref<96x64xf32, #tpu.memory_space<vmem>>, vector<16xf32>,
        %add3A_198 = arith.addf %add3A_174, %get3A_197 : vector<16xf32>
        %add3A_199 = arith.constant 2 : i32
        %add3A_200 = arith.addi %multiple_of3A_151, %add3A_199 : i32
        %get3A_201 = arith.index_cast %add3A_200 : i32 to index
        %get3A_202 = arith.constant 0 : index
        %get3A_203 = tpu.vector_load %arg9[%get3A_201, %get3A_202] {strides = array<i32>} : memref<96x64xf32, #tpu.memory_space<vmem>>, vector<16xf32>,
        %add3A_204 = arith.addf %add3A_180, %get3A_203 : vector<16xf32>
        %add3A_205 = arith.constant 2 : i32
        %add3A_206 = arith.addi %multiple_of3A_151, %add3A_205 : i32
        %get3A_207 = arith.index_cast %add3A_206 : i32 to index
        %get3A_208 = arith.constant 16 : index
        %get3A_209 = tpu.vector_load %arg9[%get3A_207, %get3A_208] {strides = array<i32>} : memref<96x64xf32, #tpu.memory_space<vmem>>, vector<16xf32>,
        %add3A_210 = arith.addf %add3A_186, %get3A_209 : vector<16xf32>
        %add3A_211 = arith.constant 2 : i32
        %add3A_212 = arith.addi %multiple_of3A_151, %add3A_211 : i32
        %get3A_213 = arith.index_cast %add3A_212 : i32 to index
        %get3A_214 = arith.constant 32 : index
        %get3A_215 = tpu.vector_load %arg9[%get3A_213, %get3A_214] {strides = array<i32>} : memref<96x64xf32, #tpu.memory_space<vmem>>, vector<16xf32>,
        %add3A_216 = arith.addf %add3A_192, %get3A_215 : vector<16xf32>
        %add3A_217 = arith.constant 2 : i32
        %add3A_218 = arith.addi %multiple_of3A_151, %add3A_217 : i32
        %get3A_219 = arith.index_cast %add3A_218 : i32 to index
        %get3A_220 = arith.constant 48 : index
        %get3A_221 = tpu.vector_load %arg9[%get3A_219, %get3A_220] {strides = array<i32>} : memref<96x64xf32, #tpu.memory_space<vmem>>, vector<16xf32>,
        %add3A_222 = arith.addf %add3A_198, %get3A_221 : vector<16xf32>
        %add3A_223 = arith.constant 3 : i32
        %add3A_224 = arith.addi %multiple_of3A_151, %add3A_223 : i32
        %get3A_225 = arith.index_cast %add3A_224 : i32 to index
        %get3A_226 = arith.constant 0 : index
        %get3A_227 = tpu.vector_load %arg9[%get3A_225, %get3A_226] {strides = array<i32>} : memref<96x64xf32, #tpu.memory_space<vmem>>, vector<16xf32>,
        %add3A_228 = arith.addf %add3A_204, %get3A_227 : vector<16xf32>
        %add3A_229 = arith.constant 3 : i32
        %add3A_230 = arith.addi %multiple_of3A_151, %add3A_229 : i32
        %get3A_231 = arith.index_cast %add3A_230 : i32 to index
        %get3A_232 = arith.constant 16 : index
        %get3A_233 = tpu.vector_load %arg9[%get3A_231, %get3A_232] {strides = array<i32>} : memref<96x64xf32, #tpu.memory_space<vmem>>, vector<16xf32>,
        %add3A_234 = arith.addf %add3A_210, %get3A_233 : vector<16xf32>
        %add3A_235 = arith.constant 3 : i32
        %add3A_236 = arith.addi %multiple_of3A_151, %add3A_235 : i32
        %get3A_237 = arith.index_cast %add3A_236 : i32 to index
        %get3A_238 = arith.constant 32 : index
        %get3A_239 = tpu.vector_load %arg9[%get3A_237, %get3A_238] {strides = array<i32>} : memref<96x64xf32, #tpu.memory_space<vmem>>, vector<16xf32>,
        %add3A_240 = arith.addf %add3A_216, %get3A_239 : vector<16xf32>
        %add3A_241 = arith.constant 3 : i32
        %add3A_242 = arith.addi %multiple_of3A_151, %add3A_241 : i32
        %get3A_243 = arith.index_cast %add3A_242 : i32 to index
        %get3A_244 = arith.constant 48 : index
        %get3A_245 = tpu.vector_load %arg9[%get3A_243, %get3A_244] {strides = array<i32>} : memref<96x64xf32, #tpu.memory_space<vmem>>, vector<16xf32>,
        %add3A_246 = arith.addf %add3A_222, %get3A_245 : vector<16xf32>
        %add3A_247 = arith.constant 4 : i32
        %add3A_248 = arith.addi %multiple_of3A_151, %add3A_247 : i32
        %get3A_249 = arith.index_cast %add3A_248 : i32 to index
        %get3A_250 = arith.constant 0 : index
        %get3A_251 = tpu.vector_load %arg9[%get3A_249, %get3A_250] {strides = array<i32>} : memref<96x64xf32, #tpu.memory_space<vmem>>, vector<16xf32>,
        %add3A_252 = arith.addf %add3A_228, %get3A_251 : vector<16xf32>
        %add3A_253 = arith.constant 4 : i32
        %add3A_254 = arith.addi %multiple_of3A_151, %add3A_253 : i32
        %get3A_255 = arith.index_cast %add3A_254 : i32 to index
        %get3A_256 = arith.constant 16 : index
        %get3A_257 = tpu.vector_load %arg9[%get3A_255, %get3A_256] {strides = array<i32>} : memref<96x64xf32, #tpu.memory_space<vmem>>, vector<16xf32>,
        %add3A_258 = arith.addf %add3A_234, %get3A_257 : vector<16xf32>
        %add3A_259 = arith.constant 4 : i32
        %add3A_260 = arith.addi %multiple_of3A_151, %add3A_259 : i32
        %get3A_261 = arith.index_cast %add3A_260 : i32 to index
        %get3A_262 = arith.constant 32 : index
        %get3A_263 = tpu.vector_load %arg9[%get3A_261, %get3A_262] {strides = array<i32>} : memref<96x64xf32, #tpu.memory_space<vmem>>, vector<16xf32>,
        %add3A_264 = arith.addf %add3A_240, %get3A_263 : vector<16xf32>
        %add3A_265 = arith.constant 4 : i32
        %add3A_266 = arith.addi %multiple_of3A_151, %add3A_265 : i32
        %get3A_267 = arith.index_cast %add3A_266 : i32 to index
        %get3A_268 = arith.constant 48 : index
        %get3A_269 = tpu.vector_load %arg9[%get3A_267, %get3A_268] {strides = array<i32>} : memref<96x64xf32, #tpu.memory_space<vmem>>, vector<16xf32>,
        %add3A_270 = arith.addf %add3A_246, %get3A_269 : vector<16xf32>
        %add3A_271 = arith.constant 5 : i32
        %add3A_272 = arith.addi %multiple_of3A_151, %add3A_271 : i32
        %get3A_273 = arith.index_cast %add3A_272 : i32 to index
        %get3A_274 = arith.constant 0 : index
        %get3A_275 = tpu.vector_load %arg9[%get3A_273, %get3A_274] {strides = array<i32>} : memref<96x64xf32, #tpu.memory_space<vmem>>, vector<16xf32>,
        %add3A_276 = arith.addf %add3A_252, %get3A_275 : vector<16xf32>
        %add3A_277 = arith.constant 5 : i32
        %add3A_278 = arith.addi %multiple_of3A_151, %add3A_277 : i32
        %get3A_279 = arith.index_cast %add3A_278 : i32 to index
        %get3A_280 = arith.constant 16 : index
        %get3A_281 = tpu.vector_load %arg9[%get3A_279, %get3A_280] {strides = array<i32>} : memref<96x64xf32, #tpu.memory_space<vmem>>, vector<16xf32>,
        %add3A_282 = arith.addf %add3A_258, %get3A_281 : vector<16xf32>
        %add3A_283 = arith.constant 5 : i32
        %add3A_284 = arith.addi %multiple_of3A_151, %add3A_283 : i32
        %get3A_285 = arith.index_cast %add3A_284 : i32 to index
        %get3A_286 = arith.constant 32 : index
        %get3A_287 = tpu.vector_load %arg9[%get3A_285, %get3A_286] {strides = array<i32>} : memref<96x64xf32, #tpu.memory_space<vmem>>, vector<16xf32>,
        %add3A_288 = arith.addf %add3A_264, %get3A_287 : vector<16xf32>
        %add3A_289 = arith.constant 5 : i32
        %add3A_290 = arith.addi %multiple_of3A_151, %add3A_289 : i32
        %get3A_291 = arith.index_cast %add3A_290 : i32 to index
        %get3A_292 = arith.constant 48 : index
        %get3A_293 = tpu.vector_load %arg9[%get3A_291, %get3A_292] {strides = array<i32>} : memref<96x64xf32, #tpu.memory_space<vmem>>, vector<16xf32>,
        %add3A_294 = arith.addf %add3A_270, %get3A_293 : vector<16xf32>
        %add3A_295 = arith.constant 6 : i32
        %add3A_296 = arith.addi %multiple_of3A_151, %add3A_295 : i32
        %get3A_297 = arith.index_cast %add3A_296 : i32 to index
        %get3A_298 = arith.constant 0 : index
        %get3A_299 = tpu.vector_load %arg9[%get3A_297, %get3A_298] {strides = array<i32>} : memref<96x64xf32, #tpu.memory_space<vmem>>, vector<16xf32>,
        %add3A_300 = arith.addf %add3A_276, %get3A_299 : vector<16xf32>
        %add3A_301 = arith.constant 6 : i32
        %add3A_302 = arith.addi %multiple_of3A_151, %add3A_301 : i32
        %get3A_303 = arith.index_cast %add3A_302 : i32 to index
        %get3A_304 = arith.constant 16 : index
        %get3A_305 = tpu.vector_load %arg9[%get3A_303, %get3A_304] {strides = array<i32>} : memref<96x64xf32, #tpu.memory_space<vmem>>, vector<16xf32>,
        %add3A_306 = arith.addf %add3A_282, %get3A_305 : vector<16xf32>
        %add3A_307 = arith.constant 6 : i32
        %add3A_308 = arith.addi %multiple_of3A_151, %add3A_307 : i32
        %get3A_309 = arith.index_cast %add3A_308 : i32 to index
        %get3A_310 = arith.constant 32 : index
        %get3A_311 = tpu.vector_load %arg9[%get3A_309, %get3A_310] {strides = array<i32>} : memref<96x64xf32, #tpu.memory_space<vmem>>, vector<16xf32>,
        %add3A_312 = arith.addf %add3A_288, %get3A_311 : vector<16xf32>
        %add3A_313 = arith.constant 6 : i32
        %add3A_314 = arith.addi %multiple_of3A_151, %add3A_313 : i32
        %get3A_315 = arith.index_cast %add3A_314 : i32 to index
        %get3A_316 = arith.constant 48 : index
        %get3A_317 = tpu.vector_load %arg9[%get3A_315, %get3A_316] {strides = array<i32>} : memref<96x64xf32, #tpu.memory_space<vmem>>, vector<16xf32>,
        %add3A_318 = arith.addf %add3A_294, %get3A_317 : vector<16xf32>
        %add3A_319 = arith.constant 7 : i32
        %add3A_320 = arith.addi %multiple_of3A_151, %add3A_319 : i32
        %get3A_321 = arith.index_cast %add3A_320 : i32 to index
        %get3A_322 = arith.constant 0 : index
        %get3A_323 = tpu.vector_load %arg9[%get3A_321, %get3A_322] {strides = array<i32>} : memref<96x64xf32, #tpu.memory_space<vmem>>, vector<16xf32>,
        %add3A_324 = arith.addf %add3A_300, %get3A_323 : vector<16xf32>
        %add3A_325 = arith.constant 7 : i32
        %add3A_326 = arith.addi %multiple_of3A_151, %add3A_325 : i32
        %get3A_327 = arith.index_cast %add3A_326 : i32 to index
        %get3A_328 = arith.constant 16 : index
        %get3A_329 = tpu.vector_load %arg9[%get3A_327, %get3A_328] {strides = array<i32>} : memref<96x64xf32, #tpu.memory_space<vmem>>, vector<16xf32>,
        %add3A_330 = arith.addf %add3A_306, %get3A_329 : vector<16xf32>
        %add3A_331 = arith.constant 7 : i32
        %add3A_332 = arith.addi %multiple_of3A_151, %add3A_331 : i32
        %get3A_333 = arith.index_cast %add3A_332 : i32 to index
        %get3A_334 = arith.constant 32 : index
        %get3A_335 = tpu.vector_load %arg9[%get3A_333, %get3A_334] {strides = array<i32>} : memref<96x64xf32, #tpu.memory_space<vmem>>, vector<16xf32>,
        %add3A_336 = arith.addf %add3A_312, %get3A_335 : vector<16xf32>
        %add3A_337 = arith.constant 7 : i32
        %add3A_338 = arith.addi %multiple_of3A_151, %add3A_337 : i32
        %get3A_339 = arith.index_cast %add3A_338 : i32 to index
        %get3A_340 = arith.constant 48 : index
        %get3A_341 = tpu.vector_load %arg9[%get3A_339, %get3A_340] {strides = array<i32>} : memref<96x64xf32, #tpu.memory_space<vmem>>, vector<16xf32>,
        %add3A_342 = arith.addf %add3A_318, %get3A_341 : vector<16xf32>
        scf.yield %add3A_324, %add3A_330, %add3A_336, %add3A_342 : vector<16xf32>, vector<16xf32>, vector<16xf32>, vector<16xf32>
      }
      %scan3A_116 = arith.constant 12 : i32
      %mul3A_117 = arith.constant 64 : i32
      %mul3A_118 = arith.muli %add3A_102, %mul3A_117 : i32
      %multiple_of3A_119 = tpu.assume_multiple %mul3A_118, 8 : i32
      %mul3A_120 = vector.broadcast %scan3A_15 : f32 to vector<16xf32>
      %mul3A_121 = arith.mulf %scan3A_115#0, %mul3A_120 : vector<16xf32>
      %add3A_122 = arith.constant 0 : i32
      %add3A_123 = arith.addi %multiple_of3A_119, %add3A_122 : i32
      %swap3A_124 = arith.index_cast %add3A_123 : i32 to index
      %swap3A_125 = tpu.vector_load %arg10[%swap3A_124] {strides = array<i32>} : memref<8192xf32, #tpu.memory_space<vmem>>, vector<16xf32>,
      tpu.vector_store %arg10[%swap3A_124], %mul3A_121 {strides = array<i32>} : memref<8192xf32, #tpu.memory_space<vmem>>, vector<16xf32>,
      %mul3A_126 = vector.broadcast %scan3A_15 : f32 to vector<16xf32>
      %mul3A_127 = arith.mulf %scan3A_115#1, %mul3A_126 : vector<16xf32>
      %add3A_128 = arith.constant 16 : i32
      %add3A_129 = arith.addi %multiple_of3A_119, %add3A_128 : i32
      %swap3A_130 = arith.index_cast %add3A_129 : i32 to index
      %swap3A_131 = tpu.vector_load %arg10[%swap3A_130] {strides = array<i32>} : memref<8192xf32, #tpu.memory_space<vmem>>, vector<16xf32>,
      tpu.vector_store %arg10[%swap3A_130], %mul3A_127 {strides = array<i32>} : memref<8192xf32, #tpu.memory_space<vmem>>, vector<16xf32>,
      %mul3A_132 = vector.broadcast %scan3A_15 : f32 to vector<16xf32>
      %mul3A_133 = arith.mulf %scan3A_115#2, %mul3A_132 : vector<16xf32>
      %add3A_134 = arith.constant 32 : i32
      %add3A_135 = arith.addi %multiple_of3A_119, %add3A_134 : i32
      %swap3A_136 = arith.index_cast %add3A_135 : i32 to index
      %swap3A_137 = tpu.vector_load %arg10[%swap3A_136] {strides = array<i32>} : memref<8192xf32, #tpu.memory_space<vmem>>, vector<16xf32>,
      tpu.vector_store %arg10[%swap3A_136], %mul3A_133 {strides = array<i32>} : memref<8192xf32, #tpu.memory_space<vmem>>, vector<16xf32>,
      %mul3A_138 = vector.broadcast %scan3A_15 : f32 to vector<16xf32>
      %mul3A_139 = arith.mulf %scan3A_115#3, %mul3A_138 : vector<16xf32>
      %add3A_140 = arith.constant 48 : i32
      %add3A_141 = arith.addi %multiple_of3A_119, %add3A_140 : i32
      %swap3A_142 = arith.index_cast %add3A_141 : i32 to index
      %swap3A_143 = tpu.vector_load %arg10[%swap3A_142] {strides = array<i32>} : memref<8192xf32, #tpu.memory_space<vmem>>, vector<16xf32>,
      tpu.vector_store %arg10[%swap3A_142], %mul3A_139 {strides = array<i32>} : memref<8192xf32, #tpu.memory_space<vmem>>, vector<16xf32>,
    }
    %scan3A_20 = arith.constant 64 : i32
    %mul3A_21 = arith.constant 64 : i32
    %mul3A_22 = arith.muli %mul3A_2, %mul3A_21 : i32
    "tpu.region"() ({
      %run_scoped3A = tpu.sem_alloc : memref<!tpu.dma_semaphore, #tpu.memory_space<semaphore_mem>>
      %dma_start3A_23 = tpu.memref_slice %arg4[%mul3A_22] : memref<262144xf32, #tpu.memory_space<hbm>> -> memref<8192xf32, #tpu.memory_space<hbm>>
      %dma_start3A_24 = tpu.memref_slice %arg4[%mul3A_22] : memref<262144xf32, #tpu.memory_space<hbm>> -> memref<8192xf32, #tpu.memory_space<hbm>>
      tpu.enqueue_dma source(%arg10 : memref<8192xf32, #tpu.memory_space<vmem>>) target(%dma_start3A_24 : memref<8192xf32, #tpu.memory_space<hbm>>) target_semaphore(%run_scoped3A : memref<!tpu.dma_semaphore, #tpu.memory_space<semaphore_mem>>)
      %dma_wait3A = tpu.memref_slice %arg4[%mul3A_22] : memref<262144xf32, #tpu.memory_space<hbm>> -> memref<8192xf32, #tpu.memory_space<hbm>>
      %dma_wait3A_25 = tpu.memref_slice %arg4[%mul3A_22] : memref<262144xf32, #tpu.memory_space<hbm>> -> memref<8192xf32, #tpu.memory_space<hbm>>
      tpu.wait_dma2 semaphore(%run_scoped3A : memref<!tpu.dma_semaphore, #tpu.memory_space<semaphore_mem>>) src(%arg10 : memref<8192xf32, #tpu.memory_space<vmem>>) dst(%dma_wait3A_25 : memref<8192xf32, #tpu.memory_space<hbm>>)
      tpu.yield
    }) : () -> ()
    return
  }
}

module attributes {stable_mosaic.version = 14 : i64} {
  func.func @_transpose_body(%arg0: i32, %arg1: memref<64x16384xf32, #tpu.memory_space<vmem>>, %arg2: memref<8192x128xf32, #tpu.memory_space<vmem>>) attributes {dimension_semantics = [#tpu.dimension_semantics<arbitrary>], iteration_bounds = array<i64: 62>, scalar_prefetch = 0 : i64, scratch_operands = 0 : i64, tpu.core_type = #tpu.core_type<tc>, window_params = [{transform_indices = @transform_0, window_bounds = array<i64: 64, 16384>}, {transform_indices = @transform_1, window_bounds = array<i64: 8192, 128>}]} {
    %iota3A = tpu.iota {dimensions = array<i32: 0>} : vector<64x64xi32>
    %iota3A_0 = tpu.iota {dimensions = array<i32: 1>} : vector<64x64xi32>
    %eq3A = arith.cmpi eq, %iota3A, %iota3A_0 : vector<64x64xi32>
    %convert_element_type3A = arith.extui %eq3A : vector<64x64xi1> to vector<64x64xi32>
    %convert_element_type3A_1 = arith.sitofp %convert_element_type3A : vector<64x64xi32> to vector<64x64xf32>
    %get3A = arith.constant 0 : index
    %get3A_2 = arith.constant 0 : index
    %get3A_3 = vector.load %arg1[%get3A, %get3A_2] : memref<64x16384xf32, #tpu.memory_space<vmem>>, vector<64x16384xf32>
    %dot_general3A = arith.constant dense<0.000000e+00> : vector<16384x64xf32>
    %dot_general3A_4 = tpu.matmul %get3A_3, %convert_element_type3A_1, %dot_general3A {dimension_numbers = #tpu.dot_dimension_numbers<[0], [0], [1], [1], [0, 1, 1, 1], [], []>, transpose_lhs_hint = true} : vector<64x16384xf32>, vector<64x64xf32>, vector<16384x64xf32> -> vector<16384x64xf32>
    %slice3A = vector.extract_strided_slice %dot_general3A_4 {offsets = [0, 0], sizes = [8192, 64], strides = [1, 1]} : vector<16384x64xf32> to vector<8192x64xf32>
    %swap3A = arith.constant 0 : index
    %swap3A_5 = arith.constant 0 : index
    %swap3A_6 = vector.load %arg2[%swap3A, %swap3A_5] : memref<8192x128xf32, #tpu.memory_space<vmem>>, vector<8192x64xf32>
    tpu.vector_store %arg2[%swap3A, %swap3A_5], %slice3A {strides = array<i32>} : memref<8192x128xf32, #tpu.memory_space<vmem>>, vector<8192x64xf32>,
    %slice3A_7 = vector.extract_strided_slice %dot_general3A_4 {offsets = [8192, 0], sizes = [8192, 64], strides = [1, 1]} : vector<16384x64xf32> to vector<8192x64xf32>
    %swap3A_8 = arith.constant 0 : index
    %swap3A_9 = arith.constant 64 : index
    %swap3A_10 = vector.load %arg2[%swap3A_8, %swap3A_9] : memref<8192x128xf32, #tpu.memory_space<vmem>>, vector<8192x64xf32>
    tpu.vector_store %arg2[%swap3A_8, %swap3A_9], %slice3A_7 {strides = array<i32>} : memref<8192x128xf32, #tpu.memory_space<vmem>>, vector<8192x64xf32>,
    return
  }
  func.func @transform_0(%arg0: i32) -> (i32, i32) {
    %c0_i32 = arith.constant 0 : i32
    %c0_i32_0 = arith.constant 0 : i32
    return %c0_i32, %arg0 : i32, i32
  }
  func.func @transform_1(%arg0: i32) -> (i32, i32) {
    %c0_i32 = arith.constant 0 : i32
    %c0_i32_0 = arith.constant 0 : i32
    return %arg0, %c0_i32 : i32, i32
  }
}

</mosaic_0001>

<sc_bundles>
// kernel: kernel.4.cloned.1.call-start
scs
__scs_entry_jumppad:
0x0: {  	(pc) =	sbr.rel $0x88, $3  }
0x1: {  	(tag) =	ssettag $0x0;
	lr =	simm.s32 $0x1  }
0x2: {  	[smem:$0x3F9F] =	sst lr;
	_ =	strace $0xD0000000  }
0x3: {  	_ = 	snop  }
0x4: {  	_ = 	snop  }
0x5: {  	_ = 	snop  }
0x6: {  	_ = 	snop  }
0x7: {  	_ = 	snop  }
__scs_overlays_trampoline_lowered:
0x8: {  	[smem:$0x3FAE] =	sst s0  }
0x9: {  	[smem:$0x3FAF] =	sst s1  }
0xa: {  	[smem:$0x3FB0] =	sst s2  }
0xb: {  	[smem:$0x3FB1] =	sst s3  }
0xc: {  	[smem:$0x3FB2] =	sst s4  }
0xd: {  	[smem:$0x3FB3] =	sst s5  }
0xe: {  	[smem:$0x3FB4] =	sst s6  }
0xf: {  	[smem:$0x3FB5] =	sst s7  }
0x10: {  	[smem:$0x3FB6] =	sst s8  }
0x11: {  	[smem:$0x3FB7] =	sst s9;
	s0 =	simm.s32 @!p0 $0x0  }
0x12: {  	s1 =	sld [smem:$0x3F9D];
	s0 =	simm.s32 @p0 $0x1  }
0x13: {  	[smem:$0x3FB8] =	sst s0;
	s0 =	simm.s32 @!p1 $0x0  }
0x14: {  	s2 =	sld [smem:$0x3F9C];
	s0 =	simm.s32 @p1 $0x1  }
0x15: {  	[smem:$0x3FB9] =	sst s0;
	s0 =	simm.s32 @!p2 $0x0  }
0x16: {  	s3 =	sld [smem:$0x3FDB];
	s0 =	simm.s32 @p2 $0x1  }
0x17: {  	s4 =	simm.s32 $0x1BF5;
	[smem:$0x3FBB] =	sst s0  }
0x18: {  	s0 =	sld [smem:$0x3F9E];
	_ =	swait.ge [sflag:s4], $0x0  }
0x19: {  	s7 =	sld [smem:$0x3F9F]  }
0x1a: {  	s8 =	sadd.s32 $0xFFFFE003, lr  }
0x1b: {  	s9 =	sadd.s32 $0xFFFFFEF7, lr;
	s5 =	simm.s32 $0xFFFFFFFF;
	p2 =	slt.u32 s8, $0xFFFFF086  }
0x1c: {  	p1 =	slt.u32 s9, $0xF7A;
	s5 =	simm.s32 @!p2 $0x0  }
0x1d: {  	s5 =	simm.s32 @p1 $0x1;
	p0 =	seq.s32 s7, s2  }
0x1e: {  	s7 =	smul.u32 @!p0 $0xF7A, s2;
	p2 =	seq.s32 @!p0 s5, $0x0  }
0x1f: {  	s9 =	smul.u32 $0xF7A, s1;
	s8 =	simm.s32 @!p0 $0x1BF5;
	p2 =	por !p2, p0  }
0x20: {  	[sflag:s8] =	ssyncset.s32 @!p0 $0xFFFFF086;
	s6 =	sadd.s32 @!p0 s3, s7;
	s7 =	simm.s32 @!p0 $0x108  }
0x21: {  	s3 =	sadd.s32 s3, s9;
	s6 =	sadd.s32 @!p0 $0x88, s6;
	s7 =	simm.s32 @p2 $0x1082  }
0x22: {  	[simem:s7], [sflag:s8] =	dma.local @!p0 [hbm:s6], $0xF7A  }
0x23: {  	s9 =	sor.u32 $0xD0000000, s2;
	s6 =	simm.s32 $0x108;
	_ =	swait.ge @!p0 [sflag:s8], $0x0  }
0x24: {  	s3 =	sadd.s32 $0x88, s3;
	s6 =	simm.s32 @!p1 $0x1082;
	[sflag:s4] =	ssyncset.s32 $0xFFFFF086  }
0x25: {  	[simem:s6], [sflag:s4] =	dma.local [hbm:s3], $0xF7A  }
0x26: {  	[smem:$0x3F9F] =	sst s1;
	(tag) =	ssettag s2;
	_ =	strace s9  }
0x27: {  	s1 =	sld [smem:$0x3FAF]  }
0x28: {  	s2 =	sld [smem:$0x3FB0]  }
0x29: {  	s4 =	sld [smem:$0x3FB2]  }
0x2a: {  	p0 =	seq.s32 s5, $0x0;
	s5 =	sld [smem:$0x3FB3]  }
0x2b: {  	s6 =	sld [smem:$0x3FB4]  }
0x2c: {  	s7 =	sld [smem:$0x3FB5]  }
0x2d: {  	s3 =	simm.s32 $0x108;
	s8 =	sld [smem:$0x3FB6]  }
0x2e: {  	s3 =	simm.s32 @!p0 $0x1082;
	s9 =	sld [smem:$0x3FB7]  }
0x2f: {  	lr =	sadd.s32 s0, s3;
	s0 =	sld [smem:$0x3FAE]  }
0x30: {  	s3 =	sld [smem:$0x3FB1]  }
0x31: {  	[smem:$0x3FBA] =	sst s10  }
0x32: {  	s10 =	sld [smem:$0x3FB8];
	_ =	sdelay $0x3  }
0x33: {  	p0 =	seq.s32 s10, $0x1;
	s10 =	sld [smem:$0x3FBA];
	_ =	sdelay $0x3  }
0x34: {  	[smem:$0x3FBA] =	sst s10  }
0x35: {  	s10 =	sld [smem:$0x3FB9];
	_ =	sdelay $0x3  }
0x36: {  	p1 =	seq.s32 s10, $0x1;
	s10 =	sld [smem:$0x3FBA];
	_ =	sdelay $0x3  }
0x37: {  	[smem:$0x3FBA] =	sst s10  }
0x38: {  	s10 =	sld [smem:$0x3FBB]  }
0x39: {  	_ = 	snop;
	(pc) =	sbr.ind lr, $3  }
0x3a: {  	_ = 	snop  }
0x3b: {  	_ = 	snop  }
0x3c: {  	p2 =	seq.s32 s10, $0x1;
	s10 =	sld [smem:$0x3FBA]  }
0x3d: {  	_ =	shalt  }
0x3e: {  	_ =	shalt  }
0x3f: {  	_ =	shalt  }
0x40: {  	_ =	shalt  }
0x41: {  	_ =	shalt  }
0x42: {  	_ =	shalt  }
0x43: {  	_ =	shalt  }
0x44: {  	_ =	shalt  }
0x45: {  	_ =	shalt  }
0x46: {  	_ =	shalt  }
0x47: {  	_ =	shalt  }
0x48: {  	_ =	shalt  }
0x49: {  	_ =	shalt  }
0x4a: {  	_ =	shalt  }
0x4b: {  	_ =	shalt  }
0x4c: {  	_ =	shalt  }
0x4d: {  	_ =	shalt  }
0x4e: {  	_ =	shalt  }
0x4f: {  	_ =	shalt  }
0x50: {  	_ =	shalt  }
0x51: {  	_ =	shalt  }
0x52: {  	_ =	shalt  }
0x53: {  	_ =	shalt  }
0x54: {  	_ =	shalt  }
0x55: {  	_ =	shalt  }
0x56: {  	_ =	shalt  }
0x57: {  	_ =	shalt  }
0x58: {  	_ =	shalt  }
0x59: {  	_ =	shalt  }
0x5a: {  	_ =	shalt  }
0x5b: {  	_ =	shalt  }
0x5c: {  	_ =	shalt  }
0x5d: {  	_ =	shalt  }
0x5e: {  	_ =	shalt  }
0x5f: {  	_ =	shalt  }
0x60: {  	_ =	shalt  }
0x61: {  	_ =	shalt  }
0x62: {  	_ =	shalt  }
0x63: {  	_ =	shalt  }
0x64: {  	_ =	shalt  }
0x65: {  	_ =	shalt  }
0x66: {  	_ =	shalt  }
0x67: {  	_ =	shalt  }
0x68: {  	_ =	shalt  }
0x69: {  	_ =	shalt  }
0x6a: {  	_ =	shalt  }
0x6b: {  	_ =	shalt  }
0x6c: {  	_ =	shalt  }
0x6d: {  	_ =	shalt  }
0x6e: {  	_ =	shalt  }
0x6f: {  	_ =	shalt  }
0x70: {  	_ =	shalt  }
0x71: {  	_ =	shalt  }
0x72: {  	_ =	shalt  }
0x73: {  	_ =	shalt  }
0x74: {  	_ =	shalt  }
0x75: {  	_ =	shalt  }
0x76: {  	_ =	shalt  }
0x77: {  	_ =	shalt  }
0x78: {  	_ =	shalt  }
0x79: {  	_ =	shalt  }
0x7a: {  	_ =	shalt  }
0x7b: {  	_ =	shalt  }
0x7c: {  	_ =	shalt  }
0x7d: {  	_ =	shalt  }
0x7e: {  	_ =	shalt  }
0x7f: {  	_ =	shalt  }
0x80: {  	_ =	shalt  }
0x81: {  	_ =	shalt  }
0x82: {  	_ =	shalt  }
0x83: {  	_ =	shalt  }
0x84: {  	_ =	shalt  }
0x85: {  	_ =	shalt  }
0x86: {  	_ =	shalt  }
0x87: {  	_ =	shalt  }
.Lfunc_end0:
.L_simem_size_0:
called_computation_lowered:
.L_overlay_start_0:
0x88: {  	s2 =	sld [smem:$0x3FD9]  }
0x89: {  	s3 =	sld [smem:$0x3FFE];
	_ =	sdelay $0x1  }
0x8a: {  	s1 =	srdreg.scid  }
0x8b: {  	s0 =	sand.u32 $0x1, s1  }
0x8c: {  	s17 =	sshll.u32 s0, $0xA;
	s2 =	sadd.s32 s3, s2  }
0x8d: {  	s2 =	sadd.s32 s2, s17  }
0x8e: {  	[smem:$0x3FC6] =	sst s2  }
0x8f: {  	_ = 	snop  }
0x90: {  	s2 =	sld [smem:$0x3FD0];
	(tm) =	ssettm $0x1  }
0x91: {  	s18 =	sld [smem:$0x3FFB];
	_ =	sdelay $0x3  }
0x92: {  	_ =	strace s18  }
0x93: {  	s3 =	sld [smem:$0x3FFC];
	_ =	sdelay $0x3  }
0x94: {  	_ =	strace s3  }
0x95: {  	s3 =	sld [smem:$0x3FFD];
	_ =	sdelay $0x3  }
0x96: {  	_ =	strace s3  }
0x97: {  	_ =	strace $0x8FFFFFFF  }
0x98: {  	s19 =	sld [smem:$0x3FDB];
	_ =	sdelay $0x1  }
0x99: {  	s4 =	simm.s32 $_scs_section_size  }
0x9a: {  	s5 =	simm.s32 $_size__tile_overlayer_lowered;
	s6 =	simm.s32 $_tile_overlayer_lowered  }
0x9b: {  	s22 =	simm.s32 $0x1BFF;
	s21 =	sshll.u32 s6, $0x1;
	s3 =	sadd.s32 s4, s19  }
0x9c: {  	s7 =	simm.s32 $0x0;
	s20 =	sshll.u32 s5, $0x1;
	s5 =	sadd.s32 s21, s3  }
0x9d: {  	[timem:s7], [sflag:s22] =	dma.local [hbm:s5], s20  }
0x9e: {  	_ =	swait.ge [sflag:s22], s20  }
0x9f: {  	s4 =	ssub.s32 $0x0, s20;
	[sflag:s22] =	ssyncset.done $0x0  }
0xa0: {  	[sflag:s22] =	ssyncadd.s32 s4;
	_ =	sdelay $0x1  }
0xa1: {  	s23 =	simm.s32 $0x1B8B  }
0xa2: {  	_ =	swait.ge [sflag:s23], $0x1  }
0xa3: {  	[sflag:s23] =	ssyncset.done $0x0  }
0xa4: {  	s25 =	simm.s32 $0x1B8E;
	s24 =	sld [smem:$0x3FFE];
	[sflag:s23] =	ssyncadd.s32 $0xFFFFFFFF  }
0xa5: {  	s26 =	simm.s32 $execute0_lowered;
	[smem:$0x3FD2] =	sst s25  }
0xa6: {  	s5 =	sshll.u32 s26, $0x1;
	_ =	strace $0x80000046;
	[dreg:$0x1] =	wrdreg $0xFFFFFFFF  }
0xa7: {  	s28 =	simm.s32 $_size_execute0_lowered;
	s3 =	sadd.s32 s3, s5;
	[dreg:$0x0] =	wrdreg $0x0  }
0xa8: {  	s5 =	sshll.u32 s28, $0x1;
	[dreg:$0x2] =	wrdreg s3  }
0xa9: {  	[dreg:$0x3] =	wrdreg s5  }
0xaa: {  	[dreg:$0x4] =	wrdreg $0xC0  }
0xab: {  	_ =	task [dreg:s7], $0x5FFFF  }
0xac: {  	[dreg:$0x1] =	wrdreg $0xFFFFFFFF  }
0xad: {  	[dreg:$0x0] =	wrdreg $0x60  }
0xae: {  	[dreg:$0x2] =	wrdreg s24  }
0xaf: {  	[dreg:$0x3] =	wrdreg s2  }
0xb0: {  	[dreg:$0x4] =	wrdreg $0x9  }
0xb1: {  	_ =	task.clear_ibuf [dreg:s7], $0x5FFFF;
	_ =	strace $0x90000046  }
0xb2: {  	s29 =	simm.s32 $0x9;
	_ =	strace $0x80000048  }
0xb3: {  	_ =	swait.ge [sflag:s29], $0x1  }
0xb4: {  	[sflag:s29] =	ssyncadd.s32 $0xFFFFFFFF  }
0xb5: {  	_ =	strace $0x90000048  }
0xb6: {  	_ =	sfence  }
0xb7: {  	s30 =	sld [smem:$0x0];
	_ =	sdelay $0x2  }
0xb8: {  	s31 =	sshll.u32 s1, $0xD;
	s1 =	sshrl.u32 s1, $0x2  }
0xb9: {  	s3 =	sand.u32 $0x4000, s31;
	s1 =	sadd.s32 s1, s30  }
0xba: {  	s0 =	sor.u32 s3, s0;
	s1 =	sshll.u32 s1, $0x11  }
0xbb: {  	s0 =	sor.u32 s1, s0  }
0xbc: {  	s0 =	sadd.s32 $0x8F2B, s0  }
0xbd: {  	[sflag:s0] =	ssyncadd.remote.s32 $0x1  }
0xbe: {  	_ =	sfence.sel $0xFFFF  }
0xbf: {  	[dreg:$0x0] =	wrdreg $0xFFFFFFFF;
	(pc) =	sbr.abs _section_cstart, $3  }
0xc0: {  	[dreg:$0x1] =	wrdreg $0xFFFFFFFF  }
0xc1: {  	_ =	task.clear_ibuf [dreg:s7], $0x2FFFF;
	_ =	strace $0x9FFFFFFF  }
0xc2: {  	(tm) =	ssettm $0x7FFFFFFF  }
0xc3: {  	_ =	shalt  }
tec
execute0_lowered:
.L_overlay_start_1:
0x0: {  	(tag) =	ssettag $0x1  }
0x1: {  	s4 =	rddreg [dreg:$0x0];
	s1 =	srdreg.scid  }
0x2: {  	s0 =	stileid.u32;
	s5 =	rddreg [dreg:$0x1]  }
0x3: {  	s2 =	simm.s32 $0x0;
	s9 =	simm.s32 $0x6400;
	s10 =	simm.s32 $0x60  }
0x4: {  	s11 =	simm.s32 $0x7E00;
	s12 =	simm.s32 $0x9600;
	s13 =	simm.s32 $0xB000  }
0x5: {  	s14 =	simm.s32 $0x1;
	s15 =	simm.s32 $0x2;
	s16 =	simm.s32 $0x3  }
0x6: {  	s17 =	simm.s32 $0x4;
	s18 =	simm.s32 $0xC800;
	s19 =	simm.s32 $0x0  }
0x7: {  	s3 =	sand.u32 $0x1, s1;
	s6 =	sshll.u32 s0, $0x1;
	[smem:$0x7FF] =	sst s2  }
0x8: {  	s1 =	rddreg [dreg:$0x2];
	s6 =	sor.u32 s3, s6;
	_ =	strace $0x80000047  }
0x9: {  	s8 =	ssub.s32 $0x2, s3;
	s7 =	smul.u32 $0xC80, s6;
	s6 =	sshll.u32 s6, $0xA  }
0xa: {  	s3 =	sadd.s32 $0x19400, s4;
	s31 =	sshrl.u32 s8, $0x1;
	s5 =	sadd.s32 s5, s6  }
0xb: {  	s4 =	sadd.s32 s7, s4;
	s7 =	ssub.s32 s8, s31;
	s8 =	simm.s32 $0x68  }
0xc: {  	s4 =	sadd.s32 $0x400, s4;
	s6 =	smax.u32 s7, $0x1;
	s7 =	simm.s32 $0x5  }
.LBB2_1:
0xd: {  	[tilespmem:s2], [sflag:$0x5] =	stream.linear.gather [hbm4b:s4+s2], $0x6400, $0x38;
	[tilespmem:$0xE800] =	vst v63  }
0xe: {  	_ =	swait.ge [sflag:s7], $0x6400  }
0xf: {  	[sflag:s7] =	ssyncset.done $0x0  }
0x10: {  	[sflag:s7] =	ssyncadd.s32 $0xFFFF9C00  }
0x11: {  	[tilespmem:s9], [sflag:$0x1] =	stream.indirect.gather [hbm4b:s3+s8], $0x40, s2, s8, $0xb8;
	[tilespmem:$0xE800] =	vst v63  }
0x12: {  	s20 =	simm.s32 $0x0  }
0x13: {  	[tilespmem:s11], [sflag:$0x2] =	stream.indirect.gather [hbm4b:s3+s10], $0x40, s8, s10, $0xb8;
	[tilespmem:$0xE800] =	vst v63  }
.LBB2_2:
0x14: {  	s21 =	sshllo.u32 s20, $0x1  }
0x15: {  	s22 =	smul.u32 $0x320, s21;
	_ =	sdelay $0x1  }
0x16: {  	s22 =	sshra.s32 s22, $0x2  }
0x17: {  	[tilespmem:s12], [sflag:$0x3] =	stream.indirect.gather [hbm4b:s3+s8], $0x40, s22, s8, $0xb8;
	[tilespmem:$0xE800] =	vst v63  }
0x18: {  	s22 =	sadd.s32 $0x68, s22  }
0x19: {  	[tilespmem:s13], [sflag:$0x4] =	stream.indirect.gather [hbm4b:s3+s10], $0x40, s22, s10, $0xb8;
	[tilespmem:$0xE800] =	vst v63  }
0x1a: {  	_ =	swait.ge [sflag:s14], $0x1A00  }
0x1b: {  	[sflag:s14] =	ssyncset.done $0x0  }
0x1c: {  	[sflag:s14] =	ssyncadd.s32 $0xFFFFE600  }
0x1d: {  	_ =	swait.ge [sflag:s15], $0x1800  }
0x1e: {  	[sflag:s15] =	ssyncset.done $0x0  }
0x1f: {  	s22 =	simm.s32 $0x0;
	[sflag:s15] =	ssyncadd.s32 $0xFFFFE800  }
0x20: {  	v4 =	vld [tilespmem:s22+$0x65C0]  }
0x21: {  	v5 =	vld [tilespmem:s22+$0x65D0]  }
0x22: {  	v6 =	vld [tilespmem:s22+$0x6580]  }
0x23: {  	v7 =	vld [tilespmem:s22+$0x6590]  }
0x24: {  	v10 =	vld [tilespmem:s22+$0x6540]  }
0x25: {  	v11 =	vld [tilespmem:s22+$0x6550]  }
0x26: {  	v13 =	vld [tilespmem:s22+$0x6500]  }
0x27: {  	v15 =	vld [tilespmem:s22+$0x6510]  }
0x28: {  	v14 =	vld [tilespmem:s22+$0x64C0]  }
0x29: {  	v16 =	vld [tilespmem:s22+$0x64D0]  }
0x2a: {  	v9 =	vld [tilespmem:s22+$0x6480]  }
0x2b: {  	v12 =	vld [tilespmem:s22+$0x6490]  }
0x2c: {  	v17 =	vld [tilespmem:s22+$0x6440]  }
0x2d: {  	v18 =	vld [tilespmem:s22+$0x6450]  }
0x2e: {  	v19 =	vld [tilespmem:s22+$0x6400]  }
0x2f: {  	v1 =	vimm.f32 $0.0e+00;
	v21 =	vld [tilespmem:s22+$0x6410]  }
0x30: {  	s23 =	simm.s32 $0x800;
	v8 =	vimm.f32 $0.0e+00;
	v2 =	vimm.f32 $0.0e+00;
	v3 =	vimm.f32 $0.0e+00;
	v20 =	vld [tilespmem:s22+$0x6420]  }
.LBB2_3:
0x31: {  	p0 =	sne.s32 s23, $0x6000;
	v0 =	vld [tilespmem:s22+$0x6430]  }
0x32: {  	v22 =	vld [tilespmem:s22+$0x6460]  }
0x33: {  	v23 =	vld [tilespmem:s22+$0x6470]  }
0x34: {  	v24 =	vld [tilespmem:s22+$0x64A0]  }
0x35: {  	v1 =	vadd.f32 v19, v1;
	v8 =	vadd.f32 v21, v8;
	v19 =	vld [tilespmem:s22+$0x64B0]  }
0x36: {  	v2 =	vadd.f32 v20, v2;
	v0 =	vadd.f32 v0, v3;
	v3 =	vld [tilespmem:s22+$0x64E0]  }
0x37: {  	v1 =	vadd.f32 v17, v1;
	v8 =	vadd.f32 v18, v8;
	v17 =	vld [tilespmem:s22+$0x64F0]  }
0x38: {  	v2 =	vadd.f32 v22, v2;
	v0 =	vadd.f32 v23, v0;
	v18 =	vld [tilespmem:s22+$0x6520]  }
0x39: {  	v1 =	vadd.f32 v9, v1;
	v8 =	vadd.f32 v12, v8;
	v9 =	vld [tilespmem:s22+$0x6530]  }
0x3a: {  	v2 =	vadd.f32 v24, v2;
	v0 =	vadd.f32 v19, v0;
	v12 =	vld [tilespmem:s22+$0x6560]  }
0x3b: {  	v1 =	vadd.f32 v14, v1;
	v8 =	vadd.f32 v16, v8;
	v14 =	vld [tilespmem:s22+$0x6570]  }
0x3c: {  	v2 =	vadd.f32 v3, v2;
	v0 =	vadd.f32 v17, v0;
	v3 =	vld [tilespmem:s22+$0x65A0]  }
0x3d: {  	v1 =	vadd.f32 v13, v1;
	v8 =	vadd.f32 v15, v8;
	v13 =	vld [tilespmem:s22+$0x65B0]  }
0x3e: {  	v2 =	vadd.f32 v18, v2;
	v0 =	vadd.f32 v9, v0;
	v9 =	vld [tilespmem:s22+$0x65E0]  }
0x3f: {  	v1 =	vadd.f32 v10, v1;
	v8 =	vadd.f32 v11, v8;
	v11 =	vld [tilespmem:s22+$0x65F0];
	s22 =	sshra.s32 s23, $0x2  }
0x40: {  	v2 =	vadd.f32 v12, v2;
	v15 =	vld [tilespmem:s22+$0x65C0];
	v0 =	vadd.f32 v14, v0  }
0x41: {  	v1 =	vadd.f32 v6, v1;
	v8 =	vadd.f32 v7, v8;
	v12 =	vld [tilespmem:s22+$0x65D0]  }
0x42: {  	v2 =	vadd.f32 v3, v2;
	v6 =	vld [tilespmem:s22+$0x6580];
	v0 =	vadd.f32 v13, v0  }
0x43: {  	v1 =	vadd.f32 v4, v1;
	v8 =	vadd.f32 v5, v8;
	v7 =	vld [tilespmem:s22+$0x6590]  }
0x44: {  	v2 =	vadd.f32 v9, v2;
	v10 =	vld [tilespmem:s22+$0x6540];
	v3 =	vadd.f32 v11, v0  }
0x45: {  	v11 =	vld [tilespmem:s22+$0x6550];
	v4 =	vmov v15  }
0x46: {  	v13 =	vld [tilespmem:s22+$0x6500];
	v5 =	vmov v12  }
0x47: {  	v15 =	vld [tilespmem:s22+$0x6510]  }
0x48: {  	v14 =	vld [tilespmem:s22+$0x64C0]  }
0x49: {  	v16 =	vld [tilespmem:s22+$0x64D0]  }
0x4a: {  	v9 =	vld [tilespmem:s22+$0x6480]  }
0x4b: {  	v12 =	vld [tilespmem:s22+$0x6490]  }
.Ltmp0:
0x4c: {  	v17 =	vld [tilespmem:s22+$0x6440];
	(pc) =	sbr.rel @p0 .LBB2_3-.Ltmp0, $4  }
0x4d: {  	v18 =	vld [tilespmem:s22+$0x6450]  }
0x4e: {  	v19 =	vld [tilespmem:s22+$0x6400]  }
0x4f: {  	v21 =	vld [tilespmem:s22+$0x6410]  }
0x50: {  	s23 =	sadd.s32 $0x800, s23;
	v20 =	vld [tilespmem:s22+$0x6420]  }
0x51: {  	v22 =	vld [tilespmem:s22+$0x6430]  }
0x52: {  	v23 =	vld [tilespmem:s22+$0x6460]  }
0x53: {  	v24 =	vld [tilespmem:s22+$0x6470]  }
0x54: {  	v25 =	vld [tilespmem:s22+$0x64A0]  }
0x55: {  	v26 =	vld [tilespmem:s22+$0x64B0]  }
0x56: {  	v27 =	vld [tilespmem:s22+$0x64E0]  }
0x57: {  	v28 =	vld [tilespmem:s22+$0x64F0]  }
0x58: {  	v29 =	vld [tilespmem:s22+$0x6520]  }
0x59: {  	v30 =	vld [tilespmem:s22+$0x6530]  }
0x5a: {  	v31 =	vld [tilespmem:s22+$0x6560]  }
0x5b: {  	v32 =	vld [tilespmem:s22+$0x6570]  }
0x5c: {  	v33 =	vld [tilespmem:s22+$0x65A0]  }
0x5d: {  	v34 =	vld [tilespmem:s22+$0x65B0]  }
0x5e: {  	v35 =	vld [tilespmem:s22+$0x65E0]  }
0x5f: {  	v36 =	vld [tilespmem:s22+$0x65F0];
	s22 =	simm.s32 $0x0  }
0x60: {  	v0 =	vld [tilespmem:s22+$0x7FC0]  }
0x61: {  	v19 =	vadd.f32 v19, v1;
	v1 =	vld [tilespmem:s22+$0x7FD0];
	v8 =	vadd.f32 v21, v8  }
0x62: {  	v20 =	vadd.f32 v20, v2;
	v2 =	vld [tilespmem:s22+$0x7F80];
	v21 =	vadd.f32 v22, v3  }
0x63: {  	v17 =	vadd.f32 v17, v19;
	v18 =	vadd.f32 v18, v8;
	v3 =	vld [tilespmem:s22+$0x7F90]  }
0x64: {  	v8 =	vld [tilespmem:s22+$0x7F40];
	v19 =	vadd.f32 v23, v20;
	v20 =	vadd.f32 v24, v21  }
0x65: {  	v17 =	vadd.f32 v9, v17;
	v9 =	vld [tilespmem:s22+$0x7F50];
	v18 =	vadd.f32 v12, v18  }
0x66: {  	v12 =	vld [tilespmem:s22+$0x7F00];
	v19 =	vadd.f32 v25, v19;
	v20 =	vadd.f32 v26, v20  }
0x67: {  	v17 =	vadd.f32 v14, v17;
	v14 =	vld [tilespmem:s22+$0x7F10];
	v18 =	vadd.f32 v16, v18  }
0x68: {  	v16 =	vld [tilespmem:s22+$0x7EC0];
	v19 =	vadd.f32 v27, v19;
	v20 =	vadd.f32 v28, v20  }
0x69: {  	v17 =	vadd.f32 v13, v17;
	v13 =	vld [tilespmem:s22+$0x7ED0];
	v18 =	vadd.f32 v15, v18  }
0x6a: {  	v15 =	vld [tilespmem:s22+$0x7E80];
	v19 =	vadd.f32 v29, v19;
	v20 =	vadd.f32 v30, v20  }
0x6b: {  	v17 =	vadd.f32 v10, v17;
	v10 =	vld [tilespmem:s22+$0x7E90];
	v18 =	vadd.f32 v11, v18  }
0x6c: {  	v11 =	vld [tilespmem:s22+$0x7E40];
	v19 =	vadd.f32 v31, v19;
	v20 =	vadd.f32 v32, v20  }
0x6d: {  	v6 =	vadd.f32 v6, v17;
	v17 =	vld [tilespmem:s22+$0x7E50];
	v21 =	vadd.f32 v7, v18  }
0x6e: {  	v18 =	vld [tilespmem:s22+$0x7E00];
	v22 =	vadd.f32 v33, v19;
	v20 =	vadd.f32 v34, v20  }
0x6f: {  	v7 =	vadd.f32 v4, v6;
	v19 =	vld [tilespmem:s22+$0x7E10];
	v5 =	vadd.f32 v5, v21  }
0x70: {  	s23 =	simm.s32 $0x800;
	v6 =	vadd.f32 v35, v22;
	v4 =	vadd.f32 v36, v20;
	v20 =	vld [tilespmem:s22+$0x7E20]  }
.LBB2_5:
0x71: {  	p0 =	sne.s32 s23, $0x5800;
	v21 =	vld [tilespmem:s22+$0x7E30]  }
0x72: {  	v22 =	vld [tilespmem:s22+$0x7E60]  }
0x73: {  	v23 =	vld [tilespmem:s22+$0x7E70]  }
0x74: {  	v24 =	vld [tilespmem:s22+$0x7EA0]  }
0x75: {  	v7 =	vadd.f32 v18, v7;
	v5 =	vadd.f32 v19, v5;
	v18 =	vld [tilespmem:s22+$0x7EB0]  }
0x76: {  	v6 =	vadd.f32 v20, v6;
	v4 =	vadd.f32 v21, v4;
	v19 =	vld [tilespmem:s22+$0x7EE0]  }
0x77: {  	v7 =	vadd.f32 v11, v7;
	v5 =	vadd.f32 v17, v5;
	v11 =	vld [tilespmem:s22+$0x7EF0]  }
0x78: {  	v6 =	vadd.f32 v22, v6;
	v4 =	vadd.f32 v23, v4;
	v17 =	vld [tilespmem:s22+$0x7F20]  }
0x79: {  	v7 =	vadd.f32 v15, v7;
	v5 =	vadd.f32 v10, v5;
	v10 =	vld [tilespmem:s22+$0x7F30]  }
0x7a: {  	v6 =	vadd.f32 v24, v6;
	v4 =	vadd.f32 v18, v4;
	v15 =	vld [tilespmem:s22+$0x7F60]  }
0x7b: {  	v7 =	vadd.f32 v16, v7;
	v5 =	vadd.f32 v13, v5;
	v13 =	vld [tilespmem:s22+$0x7F70]  }
0x7c: {  	v6 =	vadd.f32 v19, v6;
	v4 =	vadd.f32 v11, v4;
	v11 =	vld [tilespmem:s22+$0x7FA0]  }
0x7d: {  	v7 =	vadd.f32 v12, v7;
	v5 =	vadd.f32 v14, v5;
	v12 =	vld [tilespmem:s22+$0x7FB0]  }
0x7e: {  	v6 =	vadd.f32 v17, v6;
	v4 =	vadd.f32 v10, v4;
	v10 =	vld [tilespmem:s22+$0x7FE0]  }
0x7f: {  	v7 =	vadd.f32 v8, v7;
	v5 =	vadd.f32 v9, v5;
	v9 =	vld [tilespmem:s22+$0x7FF0];
	s22 =	sshra.s32 s23, $0x2  }
0x80: {  	v6 =	vadd.f32 v15, v6;
	v14 =	vld [tilespmem:s22+$0x7FC0];
	v4 =	vadd.f32 v13, v4  }
0x81: {  	v7 =	vadd.f32 v2, v7;
	v5 =	vadd.f32 v3, v5;
	v13 =	vld [tilespmem:s22+$0x7FD0]  }
0x82: {  	v6 =	vadd.f32 v11, v6;
	v2 =	vld [tilespmem:s22+$0x7F80];
	v4 =	vadd.f32 v12, v4  }
0x83: {  	v7 =	vadd.f32 v0, v7;
	v5 =	vadd.f32 v1, v5;
	v3 =	vld [tilespmem:s22+$0x7F90]  }
0x84: {  	v6 =	vadd.f32 v10, v6;
	v8 =	vld [tilespmem:s22+$0x7F40];
	v4 =	vadd.f32 v9, v4  }
0x85: {  	v9 =	vld [tilespmem:s22+$0x7F50];
	v0 =	vmov v14  }
0x86: {  	v12 =	vld [tilespmem:s22+$0x7F00];
	v1 =	vmov v13  }
0x87: {  	v14 =	vld [tilespmem:s22+$0x7F10]  }
0x88: {  	v16 =	vld [tilespmem:s22+$0x7EC0]  }
0x89: {  	v13 =	vld [tilespmem:s22+$0x7ED0]  }
0x8a: {  	v15 =	vld [tilespmem:s22+$0x7E80]  }
0x8b: {  	v10 =	vld [tilespmem:s22+$0x7E90]  }
.Ltmp1:
0x8c: {  	v11 =	vld [tilespmem:s22+$0x7E40];
	(pc) =	sbr.rel @p0 .LBB2_5-.Ltmp1, $4  }
0x8d: {  	v17 =	vld [tilespmem:s22+$0x7E50]  }
0x8e: {  	v18 =	vld [tilespmem:s22+$0x7E00]  }
0x8f: {  	v19 =	vld [tilespmem:s22+$0x7E10]  }
0x90: {  	s23 =	sadd.s32 $0x800, s23;
	v20 =	vld [tilespmem:s22+$0x7E20]  }
0x91: {  	v21 =	vld [tilespmem:s22+$0x7E30]  }
0x92: {  	v22 =	vld [tilespmem:s22+$0x7E60]  }
0x93: {  	v23 =	vld [tilespmem:s22+$0x7E70];
	v7 =	vadd.f32 v18, v7  }
0x94: {  	v18 =	vld [tilespmem:s22+$0x7EA0];
	v5 =	vadd.f32 v19, v5  }
0x95: {  	v19 =	vld [tilespmem:s22+$0x7EB0];
	v6 =	vadd.f32 v20, v6;
	v7 =	vadd.f32 v11, v7  }
0x96: {  	v11 =	vld [tilespmem:s22+$0x7EE0];
	v4 =	vadd.f32 v21, v4;
	v5 =	vadd.f32 v17, v5  }
0x97: {  	v17 =	vld [tilespmem:s22+$0x7EF0];
	v6 =	vadd.f32 v22, v6;
	v7 =	vadd.f32 v15, v7  }
0x98: {  	v15 =	vld [tilespmem:s22+$0x7F20];
	v4 =	vadd.f32 v23, v4;
	v5 =	vadd.f32 v10, v5  }
0x99: {  	v10 =	vld [tilespmem:s22+$0x7F30];
	v6 =	vadd.f32 v18, v6;
	v7 =	vadd.f32 v16, v7  }
0x9a: {  	v16 =	vld [tilespmem:s22+$0x7F60];
	v4 =	vadd.f32 v19, v4;
	v5 =	vadd.f32 v13, v5  }
0x9b: {  	v13 =	vld [tilespmem:s22+$0x7F70];
	v6 =	vadd.f32 v11, v6;
	v7 =	vadd.f32 v12, v7  }
0x9c: {  	v11 =	vld [tilespmem:s22+$0x7FA0];
	v4 =	vadd.f32 v17, v4;
	v5 =	vadd.f32 v14, v5  }
0x9d: {  	v12 =	vld [tilespmem:s22+$0x7FB0];
	v6 =	vadd.f32 v15, v6;
	v7 =	vadd.f32 v8, v7  }
0x9e: {  	v8 =	vld [tilespmem:s22+$0x7FE0];
	v4 =	vadd.f32 v10, v4;
	v5 =	vadd.f32 v9, v5  }
0x9f: {  	v9 =	vld [tilespmem:s22+$0x7FF0];
	v6 =	vadd.f32 v16, v6;
	v2 =	vadd.f32 v2, v7  }
0xa0: {  	v4 =	vadd.f32 v13, v4;
	v3 =	vadd.f32 v3, v5  }
0xa1: {  	v5 =	vadd.f32 v11, v6;
	v0 =	vadd.f32 v0, v2  }
0xa2: {  	v2 =	vadd.f32 v12, v4;
	v1 =	vadd.f32 v1, v3  }
0xa3: {  	s31 =	sshll.u32 s20, $0x7;
	v3 =	vadd.f32 v8, v5;
	v0 =	vmul.f32 $4.999999890e-03, v0  }
0xa4: {  	p0 =	seq.s32 s20, $0x3F;
	s22 =	sand.u32 $0x3FFFFF80, s31;
	v2 =	vadd.f32 v9, v2;
	v1 =	vmul.f32 $4.999999890e-03, v1  }
0xa5: {  	s23 =	smul.u32 @!p0 $0x640, s20;
	[tilespmem:s22+$0xC800] =	vst v0;
	v0 =	vmul.f32 $4.999999890e-03, v3  }
0xa6: {  	[tilespmem:s22+$0xC810] =	vst v1;
	v1 =	vmul.f32 $4.999999890e-03, v2  }
0xa7: {  	s23 =	sshra.s32 @!p0 s23, $0x2;
	[tilespmem:s22+$0xC820] =	vst v0  }
0xa8: {  	s24 =	simm.s32 @!p0 $0x68;
	s25 =	simm.s32 @!p0 $0x6400;
	[tilespmem:s22+$0xC830] =	vst v1;
	s22 =	sadd.s32 @!p0 $0x190, s23  }
0xa9: {  	[tilespmem:s25], [sflag:$0x1] =	stream.indirect.gather @!p0 [hbm4b:s3+s24], $0x40, s22, s24, $0xb8;
	[tilespmem:$0xE800] =	vst v63  }
0xaa: {  	s22 =	sadd.s32 @!p0 $0x1F8, s23;
	s23 =	simm.s32 @!p0 $0x60;
	s24 =	simm.s32 @!p0 $0x7E00  }
0xab: {  	[tilespmem:s24], [sflag:$0x2] =	stream.indirect.gather @!p0 [hbm4b:s3+s23], $0x40, s22, s23, $0xb8;
	[tilespmem:$0xE800] =	vst v63  }
0xac: {  	_ =	swait.ge [sflag:s16], $0x1A00  }
0xad: {  	[sflag:s16] =	ssyncset.done $0x0  }
0xae: {  	[sflag:s16] =	ssyncadd.s32 $0xFFFFE600  }
0xaf: {  	_ =	swait.ge [sflag:s17], $0x1800  }
0xb0: {  	[sflag:s17] =	ssyncset.done $0x0  }
0xb1: {  	s22 =	simm.s32 $0x0;
	[sflag:s17] =	ssyncadd.s32 $0xFFFFE800  }
0xb2: {  	v4 =	vld [tilespmem:s22+$0x97C0]  }
0xb3: {  	v5 =	vld [tilespmem:s22+$0x97D0]  }
0xb4: {  	v6 =	vld [tilespmem:s22+$0x9780]  }
0xb5: {  	v7 =	vld [tilespmem:s22+$0x9790]  }
0xb6: {  	v10 =	vld [tilespmem:s22+$0x9740]  }
0xb7: {  	v11 =	vld [tilespmem:s22+$0x9750]  }
0xb8: {  	v13 =	vld [tilespmem:s22+$0x9700]  }
0xb9: {  	v15 =	vld [tilespmem:s22+$0x9710]  }
0xba: {  	v14 =	vld [tilespmem:s22+$0x96C0]  }
0xbb: {  	v16 =	vld [tilespmem:s22+$0x96D0]  }
0xbc: {  	v9 =	vld [tilespmem:s22+$0x9680]  }
0xbd: {  	v12 =	vld [tilespmem:s22+$0x9690]  }
0xbe: {  	v17 =	vld [tilespmem:s22+$0x9640]  }
0xbf: {  	v18 =	vld [tilespmem:s22+$0x9650]  }
0xc0: {  	v19 =	vld [tilespmem:s22+$0x9600]  }
0xc1: {  	v8 =	vimm.f32 $0.0e+00;
	v21 =	vld [tilespmem:s22+$0x9610]  }
0xc2: {  	v3 =	vimm.f32 $0.0e+00;
	v2 =	vimm.f32 $0.0e+00;
	v1 =	vimm.f32 $0.0e+00;
	s23 =	simm.s32 $0x800;
	v20 =	vld [tilespmem:s22+$0x9620]  }
.LBB2_7:
0xc3: {  	p0 =	sne.s32 s23, $0x6000;
	v0 =	vld [tilespmem:s22+$0x9630]  }
0xc4: {  	v22 =	vld [tilespmem:s22+$0x9660]  }
0xc5: {  	v23 =	vld [tilespmem:s22+$0x9670]  }
0xc6: {  	v24 =	vld [tilespmem:s22+$0x96A0]  }
0xc7: {  	v1 =	vadd.f32 v19, v1;
	v8 =	vadd.f32 v21, v8;
	v19 =	vld [tilespmem:s22+$0x96B0]  }
0xc8: {  	v2 =	vadd.f32 v20, v2;
	v0 =	vadd.f32 v0, v3;
	v3 =	vld [tilespmem:s22+$0x96E0]  }
0xc9: {  	v1 =	vadd.f32 v17, v1;
	v8 =	vadd.f32 v18, v8;
	v17 =	vld [tilespmem:s22+$0x96F0]  }
0xca: {  	v2 =	vadd.f32 v22, v2;
	v0 =	vadd.f32 v23, v0;
	v18 =	vld [tilespmem:s22+$0x9720]  }
0xcb: {  	v1 =	vadd.f32 v9, v1;
	v8 =	vadd.f32 v12, v8;
	v9 =	vld [tilespmem:s22+$0x9730]  }
0xcc: {  	v2 =	vadd.f32 v24, v2;
	v0 =	vadd.f32 v19, v0;
	v12 =	vld [tilespmem:s22+$0x9760]  }
0xcd: {  	v1 =	vadd.f32 v14, v1;
	v8 =	vadd.f32 v16, v8;
	v14 =	vld [tilespmem:s22+$0x9770]  }
0xce: {  	v2 =	vadd.f32 v3, v2;
	v0 =	vadd.f32 v17, v0;
	v3 =	vld [tilespmem:s22+$0x97A0]  }
0xcf: {  	v1 =	vadd.f32 v13, v1;
	v8 =	vadd.f32 v15, v8;
	v13 =	vld [tilespmem:s22+$0x97B0]  }
0xd0: {  	v2 =	vadd.f32 v18, v2;
	v0 =	vadd.f32 v9, v0;
	v9 =	vld [tilespmem:s22+$0x97E0]  }
0xd1: {  	v1 =	vadd.f32 v10, v1;
	v8 =	vadd.f32 v11, v8;
	v11 =	vld [tilespmem:s22+$0x97F0];
	s22 =	sshra.s32 s23, $0x2  }
0xd2: {  	v2 =	vadd.f32 v12, v2;
	v15 =	vld [tilespmem:s22+$0x97C0];
	v0 =	vadd.f32 v14, v0  }
0xd3: {  	v1 =	vadd.f32 v6, v1;
	v8 =	vadd.f32 v7, v8;
	v12 =	vld [tilespmem:s22+$0x97D0]  }
0xd4: {  	v2 =	vadd.f32 v3, v2;
	v6 =	vld [tilespmem:s22+$0x9780];
	v0 =	vadd.f32 v13, v0  }
0xd5: {  	v1 =	vadd.f32 v4, v1;
	v8 =	vadd.f32 v5, v8;
	v7 =	vld [tilespmem:s22+$0x9790]  }
0xd6: {  	v2 =	vadd.f32 v9, v2;
	v10 =	vld [tilespmem:s22+$0x9740];
	v3 =	vadd.f32 v11, v0  }
0xd7: {  	v11 =	vld [tilespmem:s22+$0x9750];
	v4 =	vmov v15  }
0xd8: {  	v13 =	vld [tilespmem:s22+$0x9700];
	v5 =	vmov v12  }
0xd9: {  	v15 =	vld [tilespmem:s22+$0x9710]  }
0xda: {  	v14 =	vld [tilespmem:s22+$0x96C0]  }
0xdb: {  	v16 =	vld [tilespmem:s22+$0x96D0]  }
0xdc: {  	v9 =	vld [tilespmem:s22+$0x9680]  }
0xdd: {  	v12 =	vld [tilespmem:s22+$0x9690]  }
.Ltmp2:
0xde: {  	v17 =	vld [tilespmem:s22+$0x9640];
	(pc) =	sbr.rel @p0 .LBB2_7-.Ltmp2, $4  }
0xdf: {  	v18 =	vld [tilespmem:s22+$0x9650]  }
0xe0: {  	v19 =	vld [tilespmem:s22+$0x9600]  }
0xe1: {  	v21 =	vld [tilespmem:s22+$0x9610]  }
0xe2: {  	s23 =	sadd.s32 $0x800, s23;
	v20 =	vld [tilespmem:s22+$0x9620]  }
0xe3: {  	v22 =	vld [tilespmem:s22+$0x9630]  }
0xe4: {  	v23 =	vld [tilespmem:s22+$0x9660]  }
0xe5: {  	v24 =	vld [tilespmem:s22+$0x9670]  }
0xe6: {  	v25 =	vld [tilespmem:s22+$0x96A0]  }
0xe7: {  	v26 =	vld [tilespmem:s22+$0x96B0]  }
0xe8: {  	v27 =	vld [tilespmem:s22+$0x96E0]  }
0xe9: {  	v28 =	vld [tilespmem:s22+$0x96F0]  }
0xea: {  	v29 =	vld [tilespmem:s22+$0x9720]  }
0xeb: {  	v30 =	vld [tilespmem:s22+$0x9730]  }
0xec: {  	v31 =	vld [tilespmem:s22+$0x9760]  }
0xed: {  	v32 =	vld [tilespmem:s22+$0x9770]  }
0xee: {  	v33 =	vld [tilespmem:s22+$0x97A0]  }
0xef: {  	v34 =	vld [tilespmem:s22+$0x97B0]  }
0xf0: {  	v35 =	vld [tilespmem:s22+$0x97E0]  }
0xf1: {  	v36 =	vld [tilespmem:s22+$0x97F0];
	s22 =	simm.s32 $0x0  }
0xf2: {  	v0 =	vld [tilespmem:s22+$0xB1C0]  }
0xf3: {  	v19 =	vadd.f32 v19, v1;
	v1 =	vld [tilespmem:s22+$0xB1D0];
	v8 =	vadd.f32 v21, v8  }
0xf4: {  	v20 =	vadd.f32 v20, v2;
	v2 =	vld [tilespmem:s22+$0xB180];
	v21 =	vadd.f32 v22, v3  }
0xf5: {  	v17 =	vadd.f32 v17, v19;
	v18 =	vadd.f32 v18, v8;
	v3 =	vld [tilespmem:s22+$0xB190]  }
0xf6: {  	v8 =	vld [tilespmem:s22+$0xB140];
	v19 =	vadd.f32 v23, v20;
	v20 =	vadd.f32 v24, v21  }
0xf7: {  	v17 =	vadd.f32 v9, v17;
	v9 =	vld [tilespmem:s22+$0xB150];
	v18 =	vadd.f32 v12, v18  }
0xf8: {  	v12 =	vld [tilespmem:s22+$0xB100];
	v19 =	vadd.f32 v25, v19;
	v20 =	vadd.f32 v26, v20  }
0xf9: {  	v17 =	vadd.f32 v14, v17;
	v14 =	vld [tilespmem:s22+$0xB110];
	v18 =	vadd.f32 v16, v18  }
0xfa: {  	v16 =	vld [tilespmem:s22+$0xB0C0];
	v19 =	vadd.f32 v27, v19;
	v20 =	vadd.f32 v28, v20  }
0xfb: {  	v17 =	vadd.f32 v13, v17;
	v13 =	vld [tilespmem:s22+$0xB0D0];
	v18 =	vadd.f32 v15, v18  }
0xfc: {  	v15 =	vld [tilespmem:s22+$0xB080];
	v19 =	vadd.f32 v29, v19;
	v20 =	vadd.f32 v30, v20  }
0xfd: {  	v17 =	vadd.f32 v10, v17;
	v10 =	vld [tilespmem:s22+$0xB090];
	v18 =	vadd.f32 v11, v18  }
0xfe: {  	v11 =	vld [tilespmem:s22+$0xB040];
	v19 =	vadd.f32 v31, v19;
	v20 =	vadd.f32 v32, v20  }
0xff: {  	v6 =	vadd.f32 v6, v17;
	v17 =	vld [tilespmem:s22+$0xB050];
	v21 =	vadd.f32 v7, v18  }
0x100: {  	v18 =	vld [tilespmem:s22+$0xB000];
	v22 =	vadd.f32 v33, v19;
	v20 =	vadd.f32 v34, v20  }
0x101: {  	v7 =	vadd.f32 v4, v6;
	v19 =	vld [tilespmem:s22+$0xB010];
	v5 =	vadd.f32 v5, v21  }
0x102: {  	s23 =	simm.s32 $0x800;
	v6 =	vadd.f32 v35, v22;
	v4 =	vadd.f32 v36, v20;
	v20 =	vld [tilespmem:s22+$0xB020]  }
.LBB2_9:
0x103: {  	p0 =	sne.s32 s23, $0x5800;
	v21 =	vld [tilespmem:s22+$0xB030]  }
0x104: {  	v22 =	vld [tilespmem:s22+$0xB060]  }
0x105: {  	v23 =	vld [tilespmem:s22+$0xB070]  }
0x106: {  	v24 =	vld [tilespmem:s22+$0xB0A0]  }
0x107: {  	v7 =	vadd.f32 v18, v7;
	v5 =	vadd.f32 v19, v5;
	v18 =	vld [tilespmem:s22+$0xB0B0]  }
0x108: {  	v6 =	vadd.f32 v20, v6;
	v4 =	vadd.f32 v21, v4;
	v19 =	vld [tilespmem:s22+$0xB0E0]  }
0x109: {  	v7 =	vadd.f32 v11, v7;
	v5 =	vadd.f32 v17, v5;
	v11 =	vld [tilespmem:s22+$0xB0F0]  }
0x10a: {  	v6 =	vadd.f32 v22, v6;
	v4 =	vadd.f32 v23, v4;
	v17 =	vld [tilespmem:s22+$0xB120]  }
0x10b: {  	v7 =	vadd.f32 v15, v7;
	v5 =	vadd.f32 v10, v5;
	v10 =	vld [tilespmem:s22+$0xB130]  }
0x10c: {  	v6 =	vadd.f32 v24, v6;
	v4 =	vadd.f32 v18, v4;
	v15 =	vld [tilespmem:s22+$0xB160]  }
0x10d: {  	v7 =	vadd.f32 v16, v7;
	v5 =	vadd.f32 v13, v5;
	v13 =	vld [tilespmem:s22+$0xB170]  }
0x10e: {  	v6 =	vadd.f32 v19, v6;
	v4 =	vadd.f32 v11, v4;
	v11 =	vld [tilespmem:s22+$0xB1A0]  }
0x10f: {  	v7 =	vadd.f32 v12, v7;
	v5 =	vadd.f32 v14, v5;
	v12 =	vld [tilespmem:s22+$0xB1B0]  }
0x110: {  	v6 =	vadd.f32 v17, v6;
	v4 =	vadd.f32 v10, v4;
	v10 =	vld [tilespmem:s22+$0xB1E0]  }
0x111: {  	v7 =	vadd.f32 v8, v7;
	v5 =	vadd.f32 v9, v5;
	v9 =	vld [tilespmem:s22+$0xB1F0];
	s22 =	sshra.s32 s23, $0x2  }
0x112: {  	v6 =	vadd.f32 v15, v6;
	v14 =	vld [tilespmem:s22+$0xB1C0];
	v4 =	vadd.f32 v13, v4  }
0x113: {  	v7 =	vadd.f32 v2, v7;
	v5 =	vadd.f32 v3, v5;
	v13 =	vld [tilespmem:s22+$0xB1D0]  }
0x114: {  	v6 =	vadd.f32 v11, v6;
	v2 =	vld [tilespmem:s22+$0xB180];
	v4 =	vadd.f32 v12, v4  }
0x115: {  	v7 =	vadd.f32 v0, v7;
	v5 =	vadd.f32 v1, v5;
	v3 =	vld [tilespmem:s22+$0xB190]  }
0x116: {  	v6 =	vadd.f32 v10, v6;
	v8 =	vld [tilespmem:s22+$0xB140];
	v4 =	vadd.f32 v9, v4  }
0x117: {  	v9 =	vld [tilespmem:s22+$0xB150];
	v0 =	vmov v14  }
0x118: {  	v12 =	vld [tilespmem:s22+$0xB100];
	v1 =	vmov v13  }
0x119: {  	v14 =	vld [tilespmem:s22+$0xB110]  }
0x11a: {  	v16 =	vld [tilespmem:s22+$0xB0C0]  }
0x11b: {  	v13 =	vld [tilespmem:s22+$0xB0D0]  }
0x11c: {  	v15 =	vld [tilespmem:s22+$0xB080]  }
0x11d: {  	v10 =	vld [tilespmem:s22+$0xB090]  }
.Ltmp3:
0x11e: {  	v11 =	vld [tilespmem:s22+$0xB040];
	(pc) =	sbr.rel @p0 .LBB2_9-.Ltmp3, $4  }
0x11f: {  	v17 =	vld [tilespmem:s22+$0xB050]  }
0x120: {  	v18 =	vld [tilespmem:s22+$0xB000]  }
0x121: {  	v19 =	vld [tilespmem:s22+$0xB010]  }
0x122: {  	s23 =	sadd.s32 $0x800, s23;
	v20 =	vld [tilespmem:s22+$0xB020]  }
0x123: {  	v21 =	vld [tilespmem:s22+$0xB030]  }
0x124: {  	v22 =	vld [tilespmem:s22+$0xB060]  }
0x125: {  	v23 =	vld [tilespmem:s22+$0xB070];
	v7 =	vadd.f32 v18, v7  }
0x126: {  	v47 =	vld [tilespmem:s22+$0xB0A0];
	v5 =	vadd.f32 v19, v5  }
0x127: {  	v48 =	vld [tilespmem:s22+$0xB0B0];
	v6 =	vadd.f32 v20, v6;
	v7 =	vadd.f32 v11, v7  }
0x128: {  	v49 =	vld [tilespmem:s22+$0xB0E0];
	v4 =	vadd.f32 v21, v4;
	v5 =	vadd.f32 v17, v5  }
0x129: {  	v50 =	vld [tilespmem:s22+$0xB0F0];
	v6 =	vadd.f32 v22, v6;
	v7 =	vadd.f32 v15, v7  }
0x12a: {  	v51 =	vld [tilespmem:s22+$0xB120];
	v4 =	vadd.f32 v23, v4;
	v5 =	vadd.f32 v10, v5  }
0x12b: {  	v52 =	vld [tilespmem:s22+$0xB130];
	v6 =	vadd.f32 v47, v6;
	v7 =	vadd.f32 v16, v7  }
0x12c: {  	v53 =	vld [tilespmem:s22+$0xB160];
	v4 =	vadd.f32 v48, v4;
	v5 =	vadd.f32 v13, v5  }
0x12d: {  	v54 =	vld [tilespmem:s22+$0xB170];
	v6 =	vadd.f32 v49, v6;
	v7 =	vadd.f32 v12, v7  }
0x12e: {  	v55 =	vld [tilespmem:s22+$0xB1A0];
	v4 =	vadd.f32 v50, v4;
	v5 =	vadd.f32 v14, v5  }
0x12f: {  	v56 =	vld [tilespmem:s22+$0xB1B0];
	v6 =	vadd.f32 v51, v6;
	v7 =	vadd.f32 v8, v7  }
0x130: {  	v57 =	vld [tilespmem:s22+$0xB1E0];
	v4 =	vadd.f32 v52, v4;
	v5 =	vadd.f32 v9, v5  }
0x131: {  	v58 =	vld [tilespmem:s22+$0xB1F0];
	v6 =	vadd.f32 v53, v6;
	v2 =	vadd.f32 v2, v7  }
0x132: {  	v4 =	vadd.f32 v54, v4;
	v3 =	vadd.f32 v3, v5  }
0x133: {  	v59 =	vadd.f32 v55, v6;
	v0 =	vadd.f32 v0, v2  }
0x134: {  	s20 =	sadd.s32 $0x1, s20;
	v60 =	vadd.f32 v56, v4;
	v1 =	vadd.f32 v1, v3  }
0x135: {  	s21 =	sshll.u32 s21, $0x6;
	p0 =	sne.s32 s20, $0x40;
	v61 =	vadd.f32 v57, v59;
	v0 =	vmul.f32 $4.999999890e-03, v0  }
.Ltmp4:
0x136: {  	s21 =	sand.u32 $0x3FFFFFC0, s21;
	v2 =	vadd.f32 v58, v60;
	v1 =	vmul.f32 $4.999999890e-03, v1;
	(pc) =	sbr.rel @p0 .LBB2_2-.Ltmp4, $4  }
0x137: {  	[tilespmem:s21+$0xC800] =	vst v0;
	v62 =	vmul.f32 $4.999999890e-03, v61  }
0x138: {  	[tilespmem:s21+$0xC810] =	vst v1;
	v63 =	vmul.f32 $4.999999890e-03, v2  }
0x139: {  	[tilespmem:s21+$0xC820] =	vst v62  }
0x13a: {  	[tilespmem:s21+$0xC830] =	vst v63  }
0x13b: {  	s19 =	sadd.s32 $0x1, s19  }
0x13c: {  	p0 =	sne.s32 s19, s6  }
.Ltmp5:
0x13d: {  	_ = 	snop;
	(pc) =	sbr.rel @p0 .LBB2_1-.Ltmp5, $4  }
0x13e: {  	[hbm4b:s5+s2] =	stream.linear.scatter [tilespmem:s18], [sflag:$0x5], $0x2000, $0x38;
	[tilespmem:$0xE800] =	vst v63  }
0x13f: {  	_ =	swait.ge [sflag:s7], $0x2000  }
0x140: {  	[sflag:s7] =	ssyncset.done $0x0  }
0x141: {  	[sflag:s7] =	ssyncadd.s32 $0xFFFFE000  }
0x142: {  	_ =	sfence.sel $0x180000  }
0x143: {  	[bflag:$0x0] =	sbarrier.arrive $0xFFFF  }
0x144: {  	p0 =	sne.s32 s0, $0x0;
	_ =	strace $0x90000047  }
0x145: {  	s0 =	sadd.s32 @!p0 $0x100000, s1;
	[bflag:$0x2] =	sbarrier.arrive $0xFFFF  }
0x146: {  	[sflag:s0] =	ssyncadd.tile.s32 @!p0 $0x1;
	_ =	shalt  }
.Lfunc_end2:
_tile_overlayer_lowered:
.L_overlay_start_2:
0x147: {  	(tag) =	ssettag $0x2  }
0x148: {  	s0 =	rddreg [dreg:$0x0];
	s2 =	stileid.u32  }
0x149: {  	s1 =	rddreg [dreg:$0x1];
	p0 =	sne.s32 s2, $0x0  }
0x14a: {  	s3 =	rddreg [dreg:$0x2];
	[bflag:$0x3] =	sbarrier.arrive $0xFFFF;
	s2 =	simm.s32 @!p0 $0x1C05  }
0x14b: {  	[timem:s3], [sflag:s2] =	dma.local @!p0 [hbm:s0], s1  }
0x14c: {  	s0 =	simm.s32 @!p0 $0x5  }
0x14d: {  	_ =	swait.ge @!p0 [sflag:s0], s1  }
0x14e: {  	s1 =	ssub.s32 @!p0 $0x0, s1;
	[sflag:s0] =	ssyncset.done @!p0 $0x0  }
0x14f: {  	[sflag:s0] =	ssyncadd.s32 @!p0 s1  }
0x150: {  	[bflag:$0x3] =	sbarrier.arrive $0xFFFF  }
0x151: {  	_ =	shalt  }

</sc_bundles>
